<compile_context>
chip_gen: v7x
topology: tpu7x:2x2x1
jax: 0.10.2.dev20260603
libtpu: 0.0.44.dev20260713+nightly
codegen_flags: <defaults>
</compile_context>

<pallas_src>
import jax
import jax.numpy as jnp
from jax import lax
from jax.experimental import pallas as pl

LAT = 32
D = 256


def _mm(a, b):
    return jnp.dot(a.astype(jnp.bfloat16), b.astype(jnp.bfloat16),
                   preferred_element_type=jnp.float32)


def _prelu(x, a):
    return jnp.where(x >= 0, x, a * x)


def _leaky(x):
    return jnp.where(x >= 0, x, 0.01 * x)


def _enc_lat_entry(*refs):
    (at_ref, a_ref, ones_ref, x0_ref, x1_ref, xp0_ref, xp1_ref,
     w1g_ref, w1p_ref, b1_ref, a1_ref, w2_ref, b2_ref, a2_ref,
     wlat_ref, e0_ref, e1_ref) = refs[:17]
    (pzg_ref, nzg_ref, pzp_ref, nzp_ref,
     sg_ref, mug_ref, lvg_ref, zg_ref,
     sp_ref, mup_ref, lvp_ref, zp_ref) = refs[17:29]

    At = at_ref[...]
    deg = jnp.dot(At, ones_ref[...], preferred_element_type=jnp.float32) + 1.0
    dinv = 1.0 / jnp.sqrt(deg)

    def propagate(t):
        ts = t * dinv
        hi = ts.astype(jnp.bfloat16)
        lo = (ts - hi.astype(jnp.float32)).astype(jnp.bfloat16)
        u = jnp.dot(At, jnp.concatenate([hi, lo], axis=1),
                    preferred_element_type=jnp.float32)
        return (u[:, :128] + u[:, 128:] + ts) * dinv

    w1g = w1g_ref[...]
    w1p = w1p_ref[...]
    t1 = jnp.concatenate([
        _mm(x0_ref[...], w1g), _mm(xp0_ref[...], w1g),
        _mm(x1_ref[...], w1p), _mm(xp1_ref[...], w1p)], axis=1)
    h = _prelu(propagate(t1) + b1_ref[...], a1_ref[...])

    t2 = _mm(h, w2_ref[...])
    z = _prelu(propagate(t2) + b2_ref[...], a2_ref[...])

    posz_g = z[:, 0:32]
    negz_g = z[:, 32:64]
    posz_p = z[:, 64:96]
    negz_p = z[:, 96:128]
    pzg_ref[...] = posz_g
    nzg_ref[...] = negz_g
    pzp_ref[...] = posz_p
    nzp_ref[...] = negz_p

    sg_ref[...] = jax.nn.sigmoid(jnp.mean(posz_g, axis=0, keepdims=True))
    sp_ref[...] = jax.nn.sigmoid(jnp.mean(posz_p, axis=0, keepdims=True))

    zsel = jnp.concatenate([posz_g, posz_p], axis=1)
    pm = _mm(zsel, wlat_ref[...])
    M = jnp.dot(a_ref[...], pm.astype(jnp.bfloat16),
                preferred_element_type=jnp.float32)
    for (mu_ref, lv_ref, z_ref, e_ref, c) in (
            (mug_ref, lvg_ref, zg_ref, e0_ref, 0),
            (mup_ref, lvp_ref, zp_ref, e1_ref, 64)):
        mu = _leaky(M[:, c:c + 32])
        logvar = _leaky(M[:, c + 32:c + 64])
        mu_ref[...] = mu
        lv_ref[...] = logvar
        z_ref[...] = mu + (jnp.exp(logvar * 0.5) + 1e-7) * e_ref[...]


def _bn(x, g, b):
    mu = jnp.mean(x, axis=0, keepdims=True)
    var = jnp.mean((x - mu) ** 2, axis=0, keepdims=True)
    return (x - mu) / jnp.sqrt(var + 1e-5) * g + b


def _dec_entry(*refs):
    zg_ref, zp_ref = refs[0], refs[1]
    dp = refs[2:22]
    adj_ref, rg_ref, rp_ref = refs[22], refs[23], refs[24]

    mZ = 0.5 * (zg_ref[...] + zp_ref[...])
    recs = (rg_ref, rp_ref)
    for i in range(2):
        W1, b1, g1, bb1, W2, b2, g2, bb2, W3, b3 = [r[...] for r in dp[i * 10:(i + 1) * 10]]
        h = _leaky(_bn(_mm(mZ, W1) + b1, g1, bb1))
        h = _leaky(_bn(_mm(h, W2) + b2, g2, bb2))
        recs[i][...] = _mm(h, W3) + b3
    mZb = mZ.astype(jnp.bfloat16)
    adj_ref[...] = lax.dot_general(
        mZb, mZb, (((1,), (1,)), ((), ())),
        preferred_element_type=jnp.float32)


def _f32(shape):
    return jax.ShapeDtypeStruct(shape, jnp.float32)


@jax.jit
def kernel(X, A, params):
    n = X.shape[1]
    perm0 = jax.random.permutation(jax.random.fold_in(jax.random.key(1), 0), n)
    perm1 = jax.random.permutation(jax.random.fold_in(jax.random.key(1), 1), n)
    eps0 = jax.random.normal(jax.random.fold_in(jax.random.key(2), 0), (n, LAT), jnp.float32)
    eps1 = jax.random.normal(jax.random.fold_in(jax.random.key(2), 1), (n, LAT), jnp.float32)

    xp0 = X[0][perm0]
    xp1 = X[1][perm1]
    A_bf = A.astype(jnp.bfloat16)
    At_bf = A.T.astype(jnp.bfloat16)
    ones_col = jnp.ones((n, 1), jnp.bfloat16)

    def cat4(g, p):
        return jnp.concatenate([g, g, p, p], axis=0).reshape(1, 4 * LAT)

    b1c = cat4(params['gex_gcn1_b'], params['pex_gcn1_b'])
    a1c = cat4(params['gex_prelu1'], params['pex_prelu1'])
    b2c = cat4(params['gex_gcn2_b'], params['pex_gcn2_b'])
    a2c = cat4(params['gex_prelu2'], params['pex_prelu2'])
    zeros32 = jnp.zeros((LAT, LAT), jnp.float32)

    def blkdiag4(g, p):
        return jnp.block([
            [g, zeros32, zeros32, zeros32],
            [zeros32, g, zeros32, zeros32],
            [zeros32, zeros32, p, zeros32],
            [zeros32, zeros32, zeros32, p]])

    w2blk = blkdiag4(params['gex_gcn2_W'], params['pex_gcn2_W'])
    wlat = jnp.block([
        [params['gex_mu_W'], params['gex_var_W'], zeros32, zeros32],
        [zeros32, zeros32, params['pex_mu_W'], params['pex_var_W']]])

    (posz_g, negz_g, posz_p, negz_p,
     summ_g, mu_g, lv_g, z_g,
     summ_p, mu_p, lv_p, z_p) = pl.pallas_call(
        _enc_lat_entry,
        out_shape=[_f32((n, LAT))] * 4 + [
            _f32((1, LAT)), _f32((n, LAT)), _f32((n, LAT)), _f32((n, LAT)),
            _f32((1, LAT)), _f32((n, LAT)), _f32((n, LAT)), _f32((n, LAT))],
    )(At_bf, A_bf, ones_col, X[0], X[1], xp0, xp1,
      params['gex_gcn1_W'], params['pex_gcn1_W'], b1c, a1c, w2blk, b2c, a2c,
      wlat, eps0, eps1)

    def dec_params(m):
        return [
            params[m + '_dec_W1'], params[m + '_dec_b1'].reshape(1, D),
            params[m + '_bn1_g'].reshape(1, D), params[m + '_bn1_b'].reshape(1, D),
            params[m + '_dec_W2'], params[m + '_dec_b2'].reshape(1, 2 * D),
            params[m + '_bn2_g'].reshape(1, 2 * D), params[m + '_bn2_b'].reshape(1, 2 * D),
            params[m + '_dec_W3'], params[m + '_dec_b3'].reshape(1, D),
        ]

    adj_recon, rg, rp = pl.pallas_call(
        _dec_entry,
        out_shape=[_f32((n, n)), _f32((n, D)), _f32((n, D))],
    )(z_g, z_p, *dec_params('gex'), *dec_params('pex'))

    return (adj_recon, rg, rp,
            z_g, z_p,
            posz_g, posz_p,
            negz_g, negz_p,
            summ_g.reshape(LAT), summ_p.reshape(LAT),
            mu_g, mu_p,
            lv_g, lv_p)

# --- scband reference (transcript-rebuilt; emitter-appended) ---
"""Pipeline reference for scband-info-max-vae-24068996727217 (READ-ONLY COPY).

The authoritative reference and input builder live on the scoring server;
editing this copy changes nothing except your own understanding.
"""

import jax, jax.numpy as jnp
import numpy as np

N = 2048
D = 256
LAT = 32

def _glorot(k, shape):
    lim = float(np.sqrt(6.0 / (shape[0] + shape[1])))
    return jax.random.uniform(k, shape, jnp.float32, -lim, lim)

def _init_params(key):
    p = {}
    i = [0]
    def nk():
        i[0] += 1
        return jax.random.fold_in(key, i[0])
    for m in ('gex', 'pex'):
        p[m+'_gcn1_W'] = _glorot(nk(), (D, LAT)); p[m+'_gcn1_b'] = jnp.zeros((LAT,), jnp.float32)
        p[m+'_prelu1'] = jnp.full((LAT,), 0.25, jnp.float32)
        p[m+'_gcn2_W'] = _glorot(nk(), (LAT, LAT)); p[m+'_gcn2_b'] = jnp.zeros((LAT,), jnp.float32)
        p[m+'_prelu2'] = jnp.full((LAT,), 0.25, jnp.float32)
        p[m+'_mu_W'] = _glorot(nk(), (LAT, LAT))
        p[m+'_var_W'] = _glorot(nk(), (LAT, LAT))
        p[m+'_dec_W1'] = _glorot(nk(), (LAT, D)); p[m+'_dec_b1'] = jnp.zeros((D,), jnp.float32)
        p[m+'_bn1_g'] = jnp.ones((D,), jnp.float32); p[m+'_bn1_b'] = jnp.zeros((D,), jnp.float32)
        p[m+'_dec_W2'] = _glorot(nk(), (D, 2 * D)); p[m+'_dec_b2'] = jnp.zeros((2 * D,), jnp.float32)
        p[m+'_bn2_g'] = jnp.ones((2 * D,), jnp.float32); p[m+'_bn2_b'] = jnp.zeros((2 * D,), jnp.float32)
        p[m+'_dec_W3'] = _glorot(nk(), (2 * D, D)); p[m+'_dec_b3'] = jnp.zeros((D,), jnp.float32)
    return p

def setup_inputs(seed: int = 0):
    key = jax.random.key(seed)
    k1, k2, k3 = jax.random.split(key, 3)
    X = jax.random.normal(k1, (2, N, D), jnp.float32)
    A = jax.random.randint(k2, (N, N), 0, 2).astype(jnp.float32)
    return {"X": X, "A": A, "params": _init_params(k3)}

def _prelu(x, a):
    return jnp.where(x >= 0, x, a * x)

def _leaky(x):
    return jnp.where(x >= 0, x, 0.01 * x)

def _gcn_conv(x, W, b, src, dst, norm, n):
    h = x @ W
    msg = h[src] * norm[:, None]
    out = jnp.zeros((n, h.shape[1]), h.dtype).at[dst].add(msg)
    return out + b

def _bn(x, g, b):
    mu = jnp.mean(x, axis=0, keepdims=True)
    var = jnp.var(x, axis=0, keepdims=True)
    return (x - mu) / jnp.sqrt(var + 1e-5) * g + b

def _forward(X, A, params, src, dst, norm):
    n = X.shape[1]
    def encoder(x, m):
        h = _prelu(_gcn_conv(x, params[m+'_gcn1_W'], params[m+'_gcn1_b'], src, dst, norm, n), params[m+'_prelu1'])
        z = _prelu(_gcn_conv(h, params[m+'_gcn2_W'], params[m+'_gcn2_b'], src, dst, norm, n), params[m+'_prelu2'])
        return z
    outs = {}
    zs = []
    for i, m in enumerate(('gex', 'pex')):
        x = X[i]
        pos_z = encoder(x, m)
        perm = jax.random.permutation(jax.random.fold_in(jax.random.key(1), i), n)
        neg_z = encoder(x[perm], m)
        summary = jax.nn.sigmoid(jnp.mean(pos_z, axis=0))
        mu = _leaky(A @ (pos_z @ params[m+'_mu_W']))
        logvar = _leaky(A @ (pos_z @ params[m+'_var_W']))
        std = jnp.exp(logvar / 2.0) + 1e-7
        eps = jax.random.normal(jax.random.fold_in(jax.random.key(2), i), mu.shape, jnp.float32)
        z = mu + std * eps
        zs.append(z)
        outs[m] = (pos_z, neg_z, summary, mu, logvar, z)
    mZ = 0.5 * (zs[0] + zs[1])
    recons = []
    for m in ('gex', 'pex'):
        h = _bn(mZ @ params[m+'_dec_W1'] + params[m+'_dec_b1'], params[m+'_bn1_g'], params[m+'_bn1_b'])
        h = _leaky(h)
        h = _bn(h @ params[m+'_dec_W2'] + params[m+'_dec_b2'], params[m+'_bn2_g'], params[m+'_bn2_b'])
        h = _leaky(h)
        recons.append(h @ params[m+'_dec_W3'] + params[m+'_dec_b3'])
    adj_recon = mZ @ mZ.T
    return adj_recon, recons[0], recons[1], outs

def reference(X, A, params):
    n = X.shape[1]
    loop = jnp.arange(n)
    src0 = jnp.repeat(loop, n)
    dst0 = jnp.tile(loop, n)
    w0 = A.reshape(-1)
    src = jnp.concatenate([src0, loop])
    dst = jnp.concatenate([dst0, loop])
    w = jnp.concatenate([w0, jnp.ones((n,), jnp.float32)])
    deg = jnp.zeros((n,), jnp.float32).at[dst].add(w)
    dinv = jnp.where(deg > 0, 1.0 / jnp.sqrt(deg), 0.0)
    norm = dinv[src] * dinv[dst] * w
    adj_recon, rg, rp, outs = _forward(X, A, params, src, dst, norm)
    return (adj_recon, rg, rp,
            outs['gex'][5], outs['pex'][5],
            outs['gex'][0], outs['pex'][0],
            outs['gex'][1], outs['pex'][1],
            outs['gex'][2], outs['pex'][2],
            outs['gex'][3], outs['pex'][3],
            outs['gex'][4], outs['pex'][4])

if __name__ == "__main__":
    import jax
    _d = setup_inputs()
    print(jax.jit(kernel)(*tuple(_d.values())))

</pallas_src>

<mosaic_0001>
module attributes {stable_mosaic.version = 14 : i64} {
  func.func @_enc_lat_entry(%arg0: memref<2048x2048xbf16, #tpu.memory_space<vmem>>, %arg1: memref<2048x2048xbf16, #tpu.memory_space<vmem>>, %arg2: memref<2048x1xbf16, #tpu.memory_space<vmem>>, %arg3: memref<2048x256xf32, #tpu.memory_space<vmem>>, %arg4: memref<2048x256xf32, #tpu.memory_space<vmem>>, %arg5: memref<2048x256xf32, #tpu.memory_space<vmem>>, %arg6: memref<2048x256xf32, #tpu.memory_space<vmem>>, %arg7: memref<256x32xf32, #tpu.memory_space<vmem>>, %arg8: memref<256x32xf32, #tpu.memory_space<vmem>>, %arg9: memref<1x128xf32, #tpu.memory_space<vmem>>, %arg10: memref<1x128xf32, #tpu.memory_space<vmem>>, %arg11: memref<128x128xf32, #tpu.memory_space<vmem>>, %arg12: memref<1x128xf32, #tpu.memory_space<vmem>>, %arg13: memref<1x128xf32, #tpu.memory_space<vmem>>, %arg14: memref<64x128xf32, #tpu.memory_space<vmem>>, %arg15: memref<2048x32xf32, #tpu.memory_space<vmem>>, %arg16: memref<2048x32xf32, #tpu.memory_space<vmem>>, %arg17: memref<2048x32xf32, #tpu.memory_space<vmem>>, %arg18: memref<2048x32xf32, #tpu.memory_space<vmem>>, %arg19: memref<2048x32xf32, #tpu.memory_space<vmem>>, %arg20: memref<2048x32xf32, #tpu.memory_space<vmem>>, %arg21: memref<1x32xf32, #tpu.memory_space<vmem>>, %arg22: memref<2048x32xf32, #tpu.memory_space<vmem>>, %arg23: memref<2048x32xf32, #tpu.memory_space<vmem>>, %arg24: memref<2048x32xf32, #tpu.memory_space<vmem>>, %arg25: memref<1x32xf32, #tpu.memory_space<vmem>>, %arg26: memref<2048x32xf32, #tpu.memory_space<vmem>>, %arg27: memref<2048x32xf32, #tpu.memory_space<vmem>>, %arg28: memref<2048x32xf32, #tpu.memory_space<vmem>>) attributes {dimension_semantics = [], scalar_prefetch = 0 : i64, scratch_operands = 0 : i64, tpu.core_type = #tpu.core_type<tc>} {
    %get3A = arith.constant 0 : index
    %get3A_0 = arith.constant 0 : index
    %get3A_1 = vector.load %arg0[%get3A, %get3A_0] : memref<2048x2048xbf16, #tpu.memory_space<vmem>>, vector<2048x2048xbf16>
    %get3A_2 = arith.constant 0 : index
    %get3A_3 = arith.constant 0 : index
    %get3A_4 = vector.load %arg2[%get3A_2, %get3A_3] : memref<2048x1xbf16, #tpu.memory_space<vmem>>, vector<2048x1xbf16>
    %dot_general3A = arith.constant dense<0.000000e+00> : vector<2048x1xf32>
    %dot_general3A_5 = tpu.matmul %get3A_1, %get3A_4, %dot_general3A {dimension_numbers = #tpu.dot_dimension_numbers<[1], [0], [0], [1], [0, 0, 1, 1], [], []>, transpose_lhs_hint = false} : vector<2048x2048xbf16>, vector<2048x1xbf16>, vector<2048x1xf32> -> vector<2048x1xf32>
    %add3A = arith.constant 1.000000e+00 : f32
    %add3A_6 = vector.broadcast %add3A : f32 to vector<2048x1xf32>
    %add3A_7 = arith.addf %dot_general3A_5, %add3A_6 : vector<2048x1xf32>
    %sqrt3A = math.sqrt %add3A_7 : vector<2048x1xf32>
    %div3A = arith.constant 1.000000e+00 : f32
    %div3A_8 = vector.broadcast %div3A : f32 to vector<2048x1xf32>
    %div3A_9 = arith.divf %div3A_8, %sqrt3A : vector<2048x1xf32>
    %get3A_10 = arith.constant 0 : index
    %get3A_11 = arith.constant 0 : index
    %get3A_12 = vector.load %arg7[%get3A_10, %get3A_11] : memref<256x32xf32, #tpu.memory_space<vmem>>, vector<256x32xf32>
    %get3A_13 = arith.constant 0 : index
    %get3A_14 = arith.constant 0 : index
    %get3A_15 = vector.load %arg8[%get3A_13, %get3A_14] : memref<256x32xf32, #tpu.memory_space<vmem>>, vector<256x32xf32>
    %get3A_16 = arith.constant 0 : index
    %get3A_17 = arith.constant 0 : index
    %get3A_18 = vector.load %arg3[%get3A_16, %get3A_17] : memref<2048x256xf32, #tpu.memory_space<vmem>>, vector<2048x256xf32>
    %convert_element_type3A = arith.truncf %get3A_18 : vector<2048x256xf32> to vector<2048x256xbf16>
    %convert_element_type3A_19 = arith.truncf %get3A_12 : vector<256x32xf32> to vector<256x32xbf16>
    %dot_general3A_20 = arith.constant dense<0.000000e+00> : vector<2048x32xf32>
    %dot_general3A_21 = tpu.matmul %convert_element_type3A, %convert_element_type3A_19, %dot_general3A_20 {dimension_numbers = #tpu.dot_dimension_numbers<[1], [0], [0], [1], [0, 0, 1, 1], [], []>, transpose_lhs_hint = false} : vector<2048x256xbf16>, vector<256x32xbf16>, vector<2048x32xf32> -> vector<2048x32xf32>
    %get3A_22 = arith.constant 0 : index
    %get3A_23 = arith.constant 0 : index
    %get3A_24 = vector.load %arg5[%get3A_22, %get3A_23] : memref<2048x256xf32, #tpu.memory_space<vmem>>, vector<2048x256xf32>
    %convert_element_type3A_25 = arith.truncf %get3A_24 : vector<2048x256xf32> to vector<2048x256xbf16>
    %convert_element_type3A_26 = arith.truncf %get3A_12 : vector<256x32xf32> to vector<256x32xbf16>
    %dot_general3A_27 = arith.constant dense<0.000000e+00> : vector<2048x32xf32>
    %dot_general3A_28 = tpu.matmul %convert_element_type3A_25, %convert_element_type3A_26, %dot_general3A_27 {dimension_numbers = #tpu.dot_dimension_numbers<[1], [0], [0], [1], [0, 0, 1, 1], [], []>, transpose_lhs_hint = false} : vector<2048x256xbf16>, vector<256x32xbf16>, vector<2048x32xf32> -> vector<2048x32xf32>
    %get3A_29 = arith.constant 0 : index
    %get3A_30 = arith.constant 0 : index
    %get3A_31 = vector.load %arg4[%get3A_29, %get3A_30] : memref<2048x256xf32, #tpu.memory_space<vmem>>, vector<2048x256xf32>
    %convert_element_type3A_32 = arith.truncf %get3A_31 : vector<2048x256xf32> to vector<2048x256xbf16>
    %convert_element_type3A_33 = arith.truncf %get3A_15 : vector<256x32xf32> to vector<256x32xbf16>
    %dot_general3A_34 = arith.constant dense<0.000000e+00> : vector<2048x32xf32>
    %dot_general3A_35 = tpu.matmul %convert_element_type3A_32, %convert_element_type3A_33, %dot_general3A_34 {dimension_numbers = #tpu.dot_dimension_numbers<[1], [0], [0], [1], [0, 0, 1, 1], [], []>, transpose_lhs_hint = false} : vector<2048x256xbf16>, vector<256x32xbf16>, vector<2048x32xf32> -> vector<2048x32xf32>
    %get3A_36 = arith.constant 0 : index
    %get3A_37 = arith.constant 0 : index
    %get3A_38 = vector.load %arg6[%get3A_36, %get3A_37] : memref<2048x256xf32, #tpu.memory_space<vmem>>, vector<2048x256xf32>
    %convert_element_type3A_39 = arith.truncf %get3A_38 : vector<2048x256xf32> to vector<2048x256xbf16>
    %convert_element_type3A_40 = arith.truncf %get3A_15 : vector<256x32xf32> to vector<256x32xbf16>
    %dot_general3A_41 = arith.constant dense<0.000000e+00> : vector<2048x32xf32>
    %dot_general3A_42 = tpu.matmul %convert_element_type3A_39, %convert_element_type3A_40, %dot_general3A_41 {dimension_numbers = #tpu.dot_dimension_numbers<[1], [0], [0], [1], [0, 0, 1, 1], [], []>, transpose_lhs_hint = false} : vector<2048x256xbf16>, vector<256x32xbf16>, vector<2048x32xf32> -> vector<2048x32xf32>
    %concatenate3A = tpu.concatenate %dot_general3A_21, %dot_general3A_28, %dot_general3A_35, %dot_general3A_42 in 1 : vector<2048x32xf32>, vector<2048x32xf32>, vector<2048x32xf32>, vector<2048x32xf32> -> vector<2048x128xf32>
    %mul3A = vector.broadcast %div3A_9 : vector<2048x1xf32> to vector<2048x128xf32>
    %mul3A_43 = arith.mulf %concatenate3A, %mul3A : vector<2048x128xf32>
    %convert_element_type3A_44 = arith.truncf %mul3A_43 : vector<2048x128xf32> to vector<2048x128xbf16>
    %convert_element_type3A_45 = arith.extf %convert_element_type3A_44 : vector<2048x128xbf16> to vector<2048x128xf32>
    %sub3A = arith.subf %mul3A_43, %convert_element_type3A_45 : vector<2048x128xf32>
    %convert_element_type3A_46 = arith.truncf %sub3A : vector<2048x128xf32> to vector<2048x128xbf16>
    %concatenate3A_47 = tpu.concatenate %convert_element_type3A_44, %convert_element_type3A_46 in 1 : vector<2048x128xbf16>, vector<2048x128xbf16> -> vector<2048x256xbf16>
    %dot_general3A_48 = arith.constant dense<0.000000e+00> : vector<2048x256xf32>
    %dot_general3A_49 = tpu.matmul %get3A_1, %concatenate3A_47, %dot_general3A_48 {dimension_numbers = #tpu.dot_dimension_numbers<[1], [0], [0], [1], [0, 0, 1, 1], [], []>, transpose_lhs_hint = false} : vector<2048x2048xbf16>, vector<2048x256xbf16>, vector<2048x256xf32> -> vector<2048x256xf32>
    %slice3A = vector.extract_strided_slice %dot_general3A_49 {offsets = [0, 0], sizes = [2048, 128], strides = [1, 1]} : vector<2048x256xf32> to vector<2048x128xf32>
    %slice3A_50 = vector.extract_strided_slice %dot_general3A_49 {offsets = [0, 128], sizes = [2048, 128], strides = [1, 1]} : vector<2048x256xf32> to vector<2048x128xf32>
    %add3A_51 = arith.addf %slice3A, %slice3A_50 : vector<2048x128xf32>
    %add3A_52 = arith.addf %add3A_51, %mul3A_43 : vector<2048x128xf32>
    %mul3A_53 = vector.broadcast %div3A_9 : vector<2048x1xf32> to vector<2048x128xf32>
    %mul3A_54 = arith.mulf %add3A_52, %mul3A_53 : vector<2048x128xf32>
    %get3A_55 = arith.constant 0 : index
    %get3A_56 = arith.constant 0 : index
    %get3A_57 = vector.load %arg9[%get3A_55, %get3A_56] : memref<1x128xf32, #tpu.memory_space<vmem>>, vector<1x128xf32>
    %add3A_58 = vector.broadcast %get3A_57 : vector<1x128xf32> to vector<2048x128xf32>
    %add3A_59 = arith.addf %mul3A_54, %add3A_58 : vector<2048x128xf32>
    %get3A_60 = arith.constant 0 : index
    %get3A_61 = arith.constant 0 : index
    %get3A_62 = vector.load %arg10[%get3A_60, %get3A_61] : memref<1x128xf32, #tpu.memory_space<vmem>>, vector<1x128xf32>
    %ge3A = arith.constant 0.000000e+00 : f32
    %ge3A_63 = vector.broadcast %ge3A : f32 to vector<2048x128xf32>
    %ge3A_64 = arith.cmpf oge, %add3A_59, %ge3A_63 : vector<2048x128xf32>
    %mul3A_65 = vector.broadcast %get3A_62 : vector<1x128xf32> to vector<2048x128xf32>
    %mul3A_66 = arith.mulf %mul3A_65, %add3A_59 : vector<2048x128xf32>
    %select_n3A = arith.select %ge3A_64, %add3A_59, %mul3A_66 : vector<2048x128xi1>, vector<2048x128xf32>
    %get3A_67 = arith.constant 0 : index
    %get3A_68 = arith.constant 0 : index
    %get3A_69 = vector.load %arg11[%get3A_67, %get3A_68] : memref<128x128xf32, #tpu.memory_space<vmem>>, vector<128x128xf32>
    %convert_element_type3A_70 = arith.truncf %select_n3A : vector<2048x128xf32> to vector<2048x128xbf16>
    %convert_element_type3A_71 = arith.truncf %get3A_69 : vector<128x128xf32> to vector<128x128xbf16>
    %dot_general3A_72 = arith.constant dense<0.000000e+00> : vector<2048x128xf32>
    %dot_general3A_73 = tpu.matmul %convert_element_type3A_70, %convert_element_type3A_71, %dot_general3A_72 {dimension_numbers = #tpu.dot_dimension_numbers<[1], [0], [0], [1], [0, 0, 1, 1], [], []>, transpose_lhs_hint = false} : vector<2048x128xbf16>, vector<128x128xbf16>, vector<2048x128xf32> -> vector<2048x128xf32>
    %mul3A_74 = vector.broadcast %div3A_9 : vector<2048x1xf32> to vector<2048x128xf32>
    %mul3A_75 = arith.mulf %dot_general3A_73, %mul3A_74 : vector<2048x128xf32>
    %convert_element_type3A_76 = arith.truncf %mul3A_75 : vector<2048x128xf32> to vector<2048x128xbf16>
    %convert_element_type3A_77 = arith.extf %convert_element_type3A_76 : vector<2048x128xbf16> to vector<2048x128xf32>
    %sub3A_78 = arith.subf %mul3A_75, %convert_element_type3A_77 : vector<2048x128xf32>
    %convert_element_type3A_79 = arith.truncf %sub3A_78 : vector<2048x128xf32> to vector<2048x128xbf16>
    %concatenate3A_80 = tpu.concatenate %convert_element_type3A_76, %convert_element_type3A_79 in 1 : vector<2048x128xbf16>, vector<2048x128xbf16> -> vector<2048x256xbf16>
    %dot_general3A_81 = arith.constant dense<0.000000e+00> : vector<2048x256xf32>
    %dot_general3A_82 = tpu.matmul %get3A_1, %concatenate3A_80, %dot_general3A_81 {dimension_numbers = #tpu.dot_dimension_numbers<[1], [0], [0], [1], [0, 0, 1, 1], [], []>, transpose_lhs_hint = false} : vector<2048x2048xbf16>, vector<2048x256xbf16>, vector<2048x256xf32> -> vector<2048x256xf32>
    %slice3A_83 = vector.extract_strided_slice %dot_general3A_82 {offsets = [0, 0], sizes = [2048, 128], strides = [1, 1]} : vector<2048x256xf32> to vector<2048x128xf32>
    %slice3A_84 = vector.extract_strided_slice %dot_general3A_82 {offsets = [0, 128], sizes = [2048, 128], strides = [1, 1]} : vector<2048x256xf32> to vector<2048x128xf32>
    %add3A_85 = arith.addf %slice3A_83, %slice3A_84 : vector<2048x128xf32>
    %add3A_86 = arith.addf %add3A_85, %mul3A_75 : vector<2048x128xf32>
    %mul3A_87 = vector.broadcast %div3A_9 : vector<2048x1xf32> to vector<2048x128xf32>
    %mul3A_88 = arith.mulf %add3A_86, %mul3A_87 : vector<2048x128xf32>
    %get3A_89 = arith.constant 0 : index
    %get3A_90 = arith.constant 0 : index
    %get3A_91 = vector.load %arg12[%get3A_89, %get3A_90] : memref<1x128xf32, #tpu.memory_space<vmem>>, vector<1x128xf32>
    %add3A_92 = vector.broadcast %get3A_91 : vector<1x128xf32> to vector<2048x128xf32>
    %add3A_93 = arith.addf %mul3A_88, %add3A_92 : vector<2048x128xf32>
    %get3A_94 = arith.constant 0 : index
    %get3A_95 = arith.constant 0 : index
    %get3A_96 = vector.load %arg13[%get3A_94, %get3A_95] : memref<1x128xf32, #tpu.memory_space<vmem>>, vector<1x128xf32>
    %ge3A_97 = arith.constant 0.000000e+00 : f32
    %ge3A_98 = vector.broadcast %ge3A_97 : f32 to vector<2048x128xf32>
    %ge3A_99 = arith.cmpf oge, %add3A_93, %ge3A_98 : vector<2048x128xf32>
    %mul3A_100 = vector.broadcast %get3A_96 : vector<1x128xf32> to vector<2048x128xf32>
    %mul3A_101 = arith.mulf %mul3A_100, %add3A_93 : vector<2048x128xf32>
    %select_n3A_102 = arith.select %ge3A_99, %add3A_93, %mul3A_101 : vector<2048x128xi1>, vector<2048x128xf32>
    %slice3A_103 = vector.extract_strided_slice %select_n3A_102 {offsets = [0, 0], sizes = [2048, 32], strides = [1, 1]} : vector<2048x128xf32> to vector<2048x32xf32>
    %slice3A_104 = vector.extract_strided_slice %select_n3A_102 {offsets = [0, 32], sizes = [2048, 32], strides = [1, 1]} : vector<2048x128xf32> to vector<2048x32xf32>
    %slice3A_105 = vector.extract_strided_slice %select_n3A_102 {offsets = [0, 64], sizes = [2048, 32], strides = [1, 1]} : vector<2048x128xf32> to vector<2048x32xf32>
    %slice3A_106 = vector.extract_strided_slice %select_n3A_102 {offsets = [0, 96], sizes = [2048, 32], strides = [1, 1]} : vector<2048x128xf32> to vector<2048x32xf32>
    %swap3A = arith.constant 0 : index
    %swap3A_107 = arith.constant 0 : index
    %swap3A_108 = vector.load %arg17[%swap3A, %swap3A_107] : memref<2048x32xf32, #tpu.memory_space<vmem>>, vector<2048x32xf32>
    tpu.vector_store %arg17[%swap3A, %swap3A_107], %slice3A_103 {strides = array<i32>} : memref<2048x32xf32, #tpu.memory_space<vmem>>, vector<2048x32xf32>,
    %swap3A_109 = arith.constant 0 : index
    %swap3A_110 = arith.constant 0 : index
    %swap3A_111 = vector.load %arg18[%swap3A_109, %swap3A_110] : memref<2048x32xf32, #tpu.memory_space<vmem>>, vector<2048x32xf32>
    tpu.vector_store %arg18[%swap3A_109, %swap3A_110], %slice3A_104 {strides = array<i32>} : memref<2048x32xf32, #tpu.memory_space<vmem>>, vector<2048x32xf32>,
    %swap3A_112 = arith.constant 0 : index
    %swap3A_113 = arith.constant 0 : index
    %swap3A_114 = vector.load %arg19[%swap3A_112, %swap3A_113] : memref<2048x32xf32, #tpu.memory_space<vmem>>, vector<2048x32xf32>
    tpu.vector_store %arg19[%swap3A_112, %swap3A_113], %slice3A_105 {strides = array<i32>} : memref<2048x32xf32, #tpu.memory_space<vmem>>, vector<2048x32xf32>,
    %swap3A_115 = arith.constant 0 : index
    %swap3A_116 = arith.constant 0 : index
    %swap3A_117 = vector.load %arg20[%swap3A_115, %swap3A_116] : memref<2048x32xf32, #tpu.memory_space<vmem>>, vector<2048x32xf32>
    tpu.vector_store %arg20[%swap3A_115, %swap3A_116], %slice3A_106 {strides = array<i32>} : memref<2048x32xf32, #tpu.memory_space<vmem>>, vector<2048x32xf32>,
    %reduce_sum3A = arith.constant dense<0.000000e+00> : vector<32xf32>
    %reduce_sum3A_118 = vector.multi_reduction <add>, %slice3A_103, %reduce_sum3A [0] : vector<2048x32xf32> to vector<32xf32>
    %broadcast_in_dim3A = vector.shape_cast %reduce_sum3A_118 : vector<32xf32> to vector<1x32xf32>
    %div3A_119 = arith.constant 2.048000e+03 : f32
    %div3A_120 = vector.broadcast %div3A_119 : f32 to vector<1x32xf32>
    %div3A_121 = arith.divf %broadcast_in_dim3A, %div3A_120 : vector<1x32xf32>
    %logistic3A = arith.negf %div3A_121 : vector<1x32xf32>
    %logistic3A_122 = math.exp %logistic3A : vector<1x32xf32>
    %logistic3A_123 = arith.constant 1.000000e+00 : f32
    %logistic3A_124 = vector.broadcast %logistic3A_123 : f32 to vector<1x32xf32>
    %logistic3A_125 = arith.addf %logistic3A_124, %logistic3A_122 : vector<1x32xf32>
    %logistic3A_126 = arith.divf %logistic3A_124, %logistic3A_125 : vector<1x32xf32>
    %swap3A_127 = arith.constant 0 : index
    %swap3A_128 = arith.constant 0 : index
    %swap3A_129 = vector.load %arg21[%swap3A_127, %swap3A_128] : memref<1x32xf32, #tpu.memory_space<vmem>>, vector<1x32xf32>
    tpu.vector_store %arg21[%swap3A_127, %swap3A_128], %logistic3A_126 {strides = array<i32>} : memref<1x32xf32, #tpu.memory_space<vmem>>, vector<1x32xf32>,
    %reduce_sum3A_130 = arith.constant dense<0.000000e+00> : vector<32xf32>
    %reduce_sum3A_131 = vector.multi_reduction <add>, %slice3A_105, %reduce_sum3A_130 [0] : vector<2048x32xf32> to vector<32xf32>
    %broadcast_in_dim3A_132 = vector.shape_cast %reduce_sum3A_131 : vector<32xf32> to vector<1x32xf32>
    %div3A_133 = arith.constant 2.048000e+03 : f32
    %div3A_134 = vector.broadcast %div3A_133 : f32 to vector<1x32xf32>
    %div3A_135 = arith.divf %broadcast_in_dim3A_132, %div3A_134 : vector<1x32xf32>
    %logistic3A_136 = arith.negf %div3A_135 : vector<1x32xf32>
    %logistic3A_137 = math.exp %logistic3A_136 : vector<1x32xf32>
    %logistic3A_138 = arith.constant 1.000000e+00 : f32
    %logistic3A_139 = vector.broadcast %logistic3A_138 : f32 to vector<1x32xf32>
    %logistic3A_140 = arith.addf %logistic3A_139, %logistic3A_137 : vector<1x32xf32>
    %logistic3A_141 = arith.divf %logistic3A_139, %logistic3A_140 : vector<1x32xf32>
    %swap3A_142 = arith.constant 0 : index
    %swap3A_143 = arith.constant 0 : index
    %swap3A_144 = vector.load %arg25[%swap3A_142, %swap3A_143] : memref<1x32xf32, #tpu.memory_space<vmem>>, vector<1x32xf32>
    tpu.vector_store %arg25[%swap3A_142, %swap3A_143], %logistic3A_141 {strides = array<i32>} : memref<1x32xf32, #tpu.memory_space<vmem>>, vector<1x32xf32>,
    %concatenate3A_145 = tpu.concatenate %slice3A_103, %slice3A_105 in 1 : vector<2048x32xf32>, vector<2048x32xf32> -> vector<2048x64xf32>
    %get3A_146 = arith.constant 0 : index
    %get3A_147 = arith.constant 0 : index
    %get3A_148 = vector.load %arg14[%get3A_146, %get3A_147] : memref<64x128xf32, #tpu.memory_space<vmem>>, vector<64x128xf32>
    %convert_element_type3A_149 = arith.truncf %concatenate3A_145 : vector<2048x64xf32> to vector<2048x64xbf16>
    %convert_element_type3A_150 = arith.truncf %get3A_148 : vector<64x128xf32> to vector<64x128xbf16>
    %dot_general3A_151 = arith.constant dense<0.000000e+00> : vector<2048x128xf32>
    %dot_general3A_152 = tpu.matmul %convert_element_type3A_149, %convert_element_type3A_150, %dot_general3A_151 {dimension_numbers = #tpu.dot_dimension_numbers<[1], [0], [0], [1], [0, 0, 1, 1], [], []>, transpose_lhs_hint = false} : vector<2048x64xbf16>, vector<64x128xbf16>, vector<2048x128xf32> -> vector<2048x128xf32>
    %get3A_153 = arith.constant 0 : index
    %get3A_154 = arith.constant 0 : index
    %get3A_155 = vector.load %arg1[%get3A_153, %get3A_154] : memref<2048x2048xbf16, #tpu.memory_space<vmem>>, vector<2048x2048xbf16>
    %convert_element_type3A_156 = arith.truncf %dot_general3A_152 : vector<2048x128xf32> to vector<2048x128xbf16>
    %dot_general3A_157 = arith.constant dense<0.000000e+00> : vector<2048x128xf32>
    %dot_general3A_158 = tpu.matmul %get3A_155, %convert_element_type3A_156, %dot_general3A_157 {dimension_numbers = #tpu.dot_dimension_numbers<[1], [0], [0], [1], [0, 0, 1, 1], [], []>, transpose_lhs_hint = false} : vector<2048x2048xbf16>, vector<2048x128xbf16>, vector<2048x128xf32> -> vector<2048x128xf32>
    %slice3A_159 = vector.extract_strided_slice %dot_general3A_158 {offsets = [0, 0], sizes = [2048, 32], strides = [1, 1]} : vector<2048x128xf32> to vector<2048x32xf32>
    %ge3A_160 = arith.constant 0.000000e+00 : f32
    %ge3A_161 = vector.broadcast %ge3A_160 : f32 to vector<2048x32xf32>
    %ge3A_162 = arith.cmpf oge, %slice3A_159, %ge3A_161 : vector<2048x32xf32>
    %mul3A_163 = arith.constant 0.00999999977 : f32
    %mul3A_164 = vector.broadcast %mul3A_163 : f32 to vector<2048x32xf32>
    %mul3A_165 = arith.mulf %mul3A_164, %slice3A_159 : vector<2048x32xf32>
    %select_n3A_166 = arith.select %ge3A_162, %slice3A_159, %mul3A_165 : vector<2048x32xi1>, vector<2048x32xf32>
    %slice3A_167 = vector.extract_strided_slice %dot_general3A_158 {offsets = [0, 32], sizes = [2048, 32], strides = [1, 1]} : vector<2048x128xf32> to vector<2048x32xf32>
    %ge3A_168 = arith.constant 0.000000e+00 : f32
    %ge3A_169 = vector.broadcast %ge3A_168 : f32 to vector<2048x32xf32>
    %ge3A_170 = arith.cmpf oge, %slice3A_167, %ge3A_169 : vector<2048x32xf32>
    %mul3A_171 = arith.constant 0.00999999977 : f32
    %mul3A_172 = vector.broadcast %mul3A_171 : f32 to vector<2048x32xf32>
    %mul3A_173 = arith.mulf %mul3A_172, %slice3A_167 : vector<2048x32xf32>
    %select_n3A_174 = arith.select %ge3A_170, %slice3A_167, %mul3A_173 : vector<2048x32xi1>, vector<2048x32xf32>
    %swap3A_175 = arith.constant 0 : index
    %swap3A_176 = arith.constant 0 : index
    %swap3A_177 = vector.load %arg22[%swap3A_175, %swap3A_176] : memref<2048x32xf32, #tpu.memory_space<vmem>>, vector<2048x32xf32>
    tpu.vector_store %arg22[%swap3A_175, %swap3A_176], %select_n3A_166 {strides = array<i32>} : memref<2048x32xf32, #tpu.memory_space<vmem>>, vector<2048x32xf32>,
    %swap3A_178 = arith.constant 0 : index
    %swap3A_179 = arith.constant 0 : index
    %swap3A_180 = vector.load %arg23[%swap3A_178, %swap3A_179] : memref<2048x32xf32, #tpu.memory_space<vmem>>, vector<2048x32xf32>
    tpu.vector_store %arg23[%swap3A_178, %swap3A_179], %select_n3A_174 {strides = array<i32>} : memref<2048x32xf32, #tpu.memory_space<vmem>>, vector<2048x32xf32>,
    %mul3A_181 = arith.constant 5.000000e-01 : f32
    %mul3A_182 = vector.broadcast %mul3A_181 : f32 to vector<2048x32xf32>
    %mul3A_183 = arith.mulf %select_n3A_174, %mul3A_182 : vector<2048x32xf32>
    %exp3A = math.exp %mul3A_183 : vector<2048x32xf32>
    %add3A_184 = arith.constant 1.000000e-07 : f32
    %add3A_185 = vector.broadcast %add3A_184 : f32 to vector<2048x32xf32>
    %add3A_186 = arith.addf %exp3A, %add3A_185 : vector<2048x32xf32>
    %get3A_187 = arith.constant 0 : index
    %get3A_188 = arith.constant 0 : index
    %get3A_189 = vector.load %arg15[%get3A_187, %get3A_188] : memref<2048x32xf32, #tpu.memory_space<vmem>>, vector<2048x32xf32>
    %mul3A_190 = arith.mulf %add3A_186, %get3A_189 : vector<2048x32xf32>
    %add3A_191 = arith.addf %select_n3A_166, %mul3A_190 : vector<2048x32xf32>
    %swap3A_192 = arith.constant 0 : index
    %swap3A_193 = arith.constant 0 : index
    %swap3A_194 = vector.load %arg24[%swap3A_192, %swap3A_193] : memref<2048x32xf32, #tpu.memory_space<vmem>>, vector<2048x32xf32>
    tpu.vector_store %arg24[%swap3A_192, %swap3A_193], %add3A_191 {strides = array<i32>} : memref<2048x32xf32, #tpu.memory_space<vmem>>, vector<2048x32xf32>,
    %slice3A_195 = vector.extract_strided_slice %dot_general3A_158 {offsets = [0, 64], sizes = [2048, 32], strides = [1, 1]} : vector<2048x128xf32> to vector<2048x32xf32>
    %ge3A_196 = arith.constant 0.000000e+00 : f32
    %ge3A_197 = vector.broadcast %ge3A_196 : f32 to vector<2048x32xf32>
    %ge3A_198 = arith.cmpf oge, %slice3A_195, %ge3A_197 : vector<2048x32xf32>
    %mul3A_199 = arith.constant 0.00999999977 : f32
    %mul3A_200 = vector.broadcast %mul3A_199 : f32 to vector<2048x32xf32>
    %mul3A_201 = arith.mulf %mul3A_200, %slice3A_195 : vector<2048x32xf32>
    %select_n3A_202 = arith.select %ge3A_198, %slice3A_195, %mul3A_201 : vector<2048x32xi1>, vector<2048x32xf32>
    %slice3A_203 = vector.extract_strided_slice %dot_general3A_158 {offsets = [0, 96], sizes = [2048, 32], strides = [1, 1]} : vector<2048x128xf32> to vector<2048x32xf32>
    %ge3A_204 = arith.constant 0.000000e+00 : f32
    %ge3A_205 = vector.broadcast %ge3A_204 : f32 to vector<2048x32xf32>
    %ge3A_206 = arith.cmpf oge, %slice3A_203, %ge3A_205 : vector<2048x32xf32>
    %mul3A_207 = arith.constant 0.00999999977 : f32
    %mul3A_208 = vector.broadcast %mul3A_207 : f32 to vector<2048x32xf32>
    %mul3A_209 = arith.mulf %mul3A_208, %slice3A_203 : vector<2048x32xf32>
    %select_n3A_210 = arith.select %ge3A_206, %slice3A_203, %mul3A_209 : vector<2048x32xi1>, vector<2048x32xf32>
    %swap3A_211 = arith.constant 0 : index
    %swap3A_212 = arith.constant 0 : index
    %swap3A_213 = vector.load %arg26[%swap3A_211, %swap3A_212] : memref<2048x32xf32, #tpu.memory_space<vmem>>, vector<2048x32xf32>
    tpu.vector_store %arg26[%swap3A_211, %swap3A_212], %select_n3A_202 {strides = array<i32>} : memref<2048x32xf32, #tpu.memory_space<vmem>>, vector<2048x32xf32>,
    %swap3A_214 = arith.constant 0 : index
    %swap3A_215 = arith.constant 0 : index
    %swap3A_216 = vector.load %arg27[%swap3A_214, %swap3A_215] : memref<2048x32xf32, #tpu.memory_space<vmem>>, vector<2048x32xf32>
    tpu.vector_store %arg27[%swap3A_214, %swap3A_215], %select_n3A_210 {strides = array<i32>} : memref<2048x32xf32, #tpu.memory_space<vmem>>, vector<2048x32xf32>,
    %mul3A_217 = arith.constant 5.000000e-01 : f32
    %mul3A_218 = vector.broadcast %mul3A_217 : f32 to vector<2048x32xf32>
    %mul3A_219 = arith.mulf %select_n3A_210, %mul3A_218 : vector<2048x32xf32>
    %exp3A_220 = math.exp %mul3A_219 : vector<2048x32xf32>
    %add3A_221 = arith.constant 1.000000e-07 : f32
    %add3A_222 = vector.broadcast %add3A_221 : f32 to vector<2048x32xf32>
    %add3A_223 = arith.addf %exp3A_220, %add3A_222 : vector<2048x32xf32>
    %get3A_224 = arith.constant 0 : index
    %get3A_225 = arith.constant 0 : index
    %get3A_226 = vector.load %arg16[%get3A_224, %get3A_225] : memref<2048x32xf32, #tpu.memory_space<vmem>>, vector<2048x32xf32>
    %mul3A_227 = arith.mulf %add3A_223, %get3A_226 : vector<2048x32xf32>
    %add3A_228 = arith.addf %select_n3A_202, %mul3A_227 : vector<2048x32xf32>
    %swap3A_229 = arith.constant 0 : index
    %swap3A_230 = arith.constant 0 : index
    %swap3A_231 = vector.load %arg28[%swap3A_229, %swap3A_230] : memref<2048x32xf32, #tpu.memory_space<vmem>>, vector<2048x32xf32>
    tpu.vector_store %arg28[%swap3A_229, %swap3A_230], %add3A_228 {strides = array<i32>} : memref<2048x32xf32, #tpu.memory_space<vmem>>, vector<2048x32xf32>,
    return
  }
}

module attributes {stable_mosaic.version = 14 : i64} {
  func.func @_dec_entry(%arg0: memref<2048x32xf32, #tpu.memory_space<vmem>>, %arg1: memref<2048x32xf32, #tpu.memory_space<vmem>>, %arg2: memref<32x256xf32, #tpu.memory_space<vmem>>, %arg3: memref<1x256xf32, #tpu.memory_space<vmem>>, %arg4: memref<1x256xf32, #tpu.memory_space<vmem>>, %arg5: memref<1x256xf32, #tpu.memory_space<vmem>>, %arg6: memref<256x512xf32, #tpu.memory_space<vmem>>, %arg7: memref<1x512xf32, #tpu.memory_space<vmem>>, %arg8: memref<1x512xf32, #tpu.memory_space<vmem>>, %arg9: memref<1x512xf32, #tpu.memory_space<vmem>>, %arg10: memref<512x256xf32, #tpu.memory_space<vmem>>, %arg11: memref<1x256xf32, #tpu.memory_space<vmem>>, %arg12: memref<32x256xf32, #tpu.memory_space<vmem>>, %arg13: memref<1x256xf32, #tpu.memory_space<vmem>>, %arg14: memref<1x256xf32, #tpu.memory_space<vmem>>, %arg15: memref<1x256xf32, #tpu.memory_space<vmem>>, %arg16: memref<256x512xf32, #tpu.memory_space<vmem>>, %arg17: memref<1x512xf32, #tpu.memory_space<vmem>>, %arg18: memref<1x512xf32, #tpu.memory_space<vmem>>, %arg19: memref<1x512xf32, #tpu.memory_space<vmem>>, %arg20: memref<512x256xf32, #tpu.memory_space<vmem>>, %arg21: memref<1x256xf32, #tpu.memory_space<vmem>>, %arg22: memref<2048x2048xf32, #tpu.memory_space<vmem>>, %arg23: memref<2048x256xf32, #tpu.memory_space<vmem>>, %arg24: memref<2048x256xf32, #tpu.memory_space<vmem>>) attributes {dimension_semantics = [], scalar_prefetch = 0 : i64, scratch_operands = 0 : i64, tpu.core_type = #tpu.core_type<tc>} {
    %get3A = arith.constant 0 : index
    %get3A_0 = arith.constant 0 : index
    %get3A_1 = vector.load %arg0[%get3A, %get3A_0] : memref<2048x32xf32, #tpu.memory_space<vmem>>, vector<2048x32xf32>
    %get3A_2 = arith.constant 0 : index
    %get3A_3 = arith.constant 0 : index
    %get3A_4 = vector.load %arg1[%get3A_2, %get3A_3] : memref<2048x32xf32, #tpu.memory_space<vmem>>, vector<2048x32xf32>
    %add3A = arith.addf %get3A_1, %get3A_4 : vector<2048x32xf32>
    %mul3A = arith.constant 5.000000e-01 : f32
    %mul3A_5 = vector.broadcast %mul3A : f32 to vector<2048x32xf32>
    %mul3A_6 = arith.mulf %mul3A_5, %add3A : vector<2048x32xf32>
    %get3A_7 = arith.constant 0 : index
    %get3A_8 = arith.constant 0 : index
    %get3A_9 = vector.load %arg2[%get3A_7, %get3A_8] : memref<32x256xf32, #tpu.memory_space<vmem>>, vector<32x256xf32>
    %get3A_10 = arith.constant 0 : index
    %get3A_11 = arith.constant 0 : index
    %get3A_12 = vector.load %arg3[%get3A_10, %get3A_11] : memref<1x256xf32, #tpu.memory_space<vmem>>, vector<1x256xf32>
    %get3A_13 = arith.constant 0 : index
    %get3A_14 = arith.constant 0 : index
    %get3A_15 = vector.load %arg4[%get3A_13, %get3A_14] : memref<1x256xf32, #tpu.memory_space<vmem>>, vector<1x256xf32>
    %get3A_16 = arith.constant 0 : index
    %get3A_17 = arith.constant 0 : index
    %get3A_18 = vector.load %arg5[%get3A_16, %get3A_17] : memref<1x256xf32, #tpu.memory_space<vmem>>, vector<1x256xf32>
    %get3A_19 = arith.constant 0 : index
    %get3A_20 = arith.constant 0 : index
    %get3A_21 = vector.load %arg6[%get3A_19, %get3A_20] : memref<256x512xf32, #tpu.memory_space<vmem>>, vector<256x512xf32>
    %get3A_22 = arith.constant 0 : index
    %get3A_23 = arith.constant 0 : index
    %get3A_24 = vector.load %arg7[%get3A_22, %get3A_23] : memref<1x512xf32, #tpu.memory_space<vmem>>, vector<1x512xf32>
    %get3A_25 = arith.constant 0 : index
    %get3A_26 = arith.constant 0 : index
    %get3A_27 = vector.load %arg8[%get3A_25, %get3A_26] : memref<1x512xf32, #tpu.memory_space<vmem>>, vector<1x512xf32>
    %get3A_28 = arith.constant 0 : index
    %get3A_29 = arith.constant 0 : index
    %get3A_30 = vector.load %arg9[%get3A_28, %get3A_29] : memref<1x512xf32, #tpu.memory_space<vmem>>, vector<1x512xf32>
    %get3A_31 = arith.constant 0 : index
    %get3A_32 = arith.constant 0 : index
    %get3A_33 = vector.load %arg10[%get3A_31, %get3A_32] : memref<512x256xf32, #tpu.memory_space<vmem>>, vector<512x256xf32>
    %get3A_34 = arith.constant 0 : index
    %get3A_35 = arith.constant 0 : index
    %get3A_36 = vector.load %arg11[%get3A_34, %get3A_35] : memref<1x256xf32, #tpu.memory_space<vmem>>, vector<1x256xf32>
    %convert_element_type3A = arith.truncf %mul3A_6 : vector<2048x32xf32> to vector<2048x32xbf16>
    %convert_element_type3A_37 = arith.truncf %get3A_9 : vector<32x256xf32> to vector<32x256xbf16>
    %dot_general3A = arith.constant dense<0.000000e+00> : vector<2048x256xf32>
    %dot_general3A_38 = tpu.matmul %convert_element_type3A, %convert_element_type3A_37, %dot_general3A {dimension_numbers = #tpu.dot_dimension_numbers<[1], [0], [0], [1], [0, 0, 1, 1], [], []>, transpose_lhs_hint = false} : vector<2048x32xbf16>, vector<32x256xbf16>, vector<2048x256xf32> -> vector<2048x256xf32>
    %add3A_39 = vector.broadcast %get3A_12 : vector<1x256xf32> to vector<2048x256xf32>
    %add3A_40 = arith.addf %dot_general3A_38, %add3A_39 : vector<2048x256xf32>
    %reduce_sum3A = arith.constant dense<0.000000e+00> : vector<256xf32>
    %reduce_sum3A_41 = vector.multi_reduction <add>, %add3A_40, %reduce_sum3A [0] : vector<2048x256xf32> to vector<256xf32>
    %broadcast_in_dim3A = vector.shape_cast %reduce_sum3A_41 : vector<256xf32> to vector<1x256xf32>
    %div3A = arith.constant 2.048000e+03 : f32
    %div3A_42 = vector.broadcast %div3A : f32 to vector<1x256xf32>
    %div3A_43 = arith.divf %broadcast_in_dim3A, %div3A_42 : vector<1x256xf32>
    %jit3A = arith.constant 0 : i32
    %reduce_sum3A_44 = arith.constant dense<0.000000e+00> : vector<256xf32>
    %reduce_sum3A_45 = vector.multi_reduction <add>, %add3A_40, %reduce_sum3A_44 [0] : vector<2048x256xf32> to vector<256xf32>
    %broadcast_in_dim3A_46 = vector.shape_cast %reduce_sum3A_45 : vector<256xf32> to vector<1x256xf32>
    %div3A_47 = arith.constant 2.048000e+03 : f32
    %div3A_48 = vector.broadcast %div3A_47 : f32 to vector<1x256xf32>
    %div3A_49 = arith.divf %broadcast_in_dim3A_46, %div3A_48 : vector<1x256xf32>
    %sub3A = vector.broadcast %div3A_49 : vector<1x256xf32> to vector<2048x256xf32>
    %sub3A_50 = arith.subf %add3A_40, %sub3A : vector<2048x256xf32>
    %square3A = arith.mulf %sub3A_50, %sub3A_50 : vector<2048x256xf32>
    %convert_element_type3A_51 = arith.sitofp %jit3A : i32 to f32
    %sub3A_52 = arith.constant 2.048000e+03 : f32
    %sub3A_53 = arith.subf %sub3A_52, %convert_element_type3A_51 : f32
    %reduce_sum3A_54 = arith.constant dense<0.000000e+00> : vector<256xf32>
    %reduce_sum3A_55 = vector.multi_reduction <add>, %square3A, %reduce_sum3A_54 [0] : vector<2048x256xf32> to vector<256xf32>
    %broadcast_in_dim3A_56 = vector.shape_cast %reduce_sum3A_55 : vector<256xf32> to vector<1x256xf32>
    %div3A_57 = vector.broadcast %sub3A_53 : f32 to vector<1x256xf32>
    %div3A_58 = arith.divf %broadcast_in_dim3A_56, %div3A_57 : vector<1x256xf32>
    %gt3A = arith.constant 0.000000e+00 : f32
    %gt3A_59 = arith.cmpf ogt, %sub3A_53, %gt3A : f32
    %jit3A_60 = arith.constant 0x7FC00000 : f32
    %broadcast_in_dim3A_61 = vector.broadcast %jit3A_60 : f32 to vector<1x256xf32>
    %select_n3A = arith.select %gt3A_59, %div3A_58, %broadcast_in_dim3A_61 : vector<1x256xf32>
    %sub3A_62 = vector.broadcast %div3A_43 : vector<1x256xf32> to vector<2048x256xf32>
    %sub3A_63 = arith.subf %add3A_40, %sub3A_62 : vector<2048x256xf32>
    %add3A_64 = arith.constant 9.99999974E-6 : f32
    %add3A_65 = vector.broadcast %add3A_64 : f32 to vector<1x256xf32>
    %add3A_66 = arith.addf %select_n3A, %add3A_65 : vector<1x256xf32>
    %sqrt3A = math.sqrt %add3A_66 : vector<1x256xf32>
    %div3A_67 = vector.broadcast %sqrt3A : vector<1x256xf32> to vector<2048x256xf32>
    %div3A_68 = arith.divf %sub3A_63, %div3A_67 : vector<2048x256xf32>
    %mul3A_69 = vector.broadcast %get3A_15 : vector<1x256xf32> to vector<2048x256xf32>
    %mul3A_70 = arith.mulf %div3A_68, %mul3A_69 : vector<2048x256xf32>
    %add3A_71 = vector.broadcast %get3A_18 : vector<1x256xf32> to vector<2048x256xf32>
    %add3A_72 = arith.addf %mul3A_70, %add3A_71 : vector<2048x256xf32>
    %ge3A = arith.constant 0.000000e+00 : f32
    %ge3A_73 = vector.broadcast %ge3A : f32 to vector<2048x256xf32>
    %ge3A_74 = arith.cmpf oge, %add3A_72, %ge3A_73 : vector<2048x256xf32>
    %mul3A_75 = arith.constant 0.00999999977 : f32
    %mul3A_76 = vector.broadcast %mul3A_75 : f32 to vector<2048x256xf32>
    %mul3A_77 = arith.mulf %mul3A_76, %add3A_72 : vector<2048x256xf32>
    %select_n3A_78 = arith.select %ge3A_74, %add3A_72, %mul3A_77 : vector<2048x256xi1>, vector<2048x256xf32>
    %convert_element_type3A_79 = arith.truncf %select_n3A_78 : vector<2048x256xf32> to vector<2048x256xbf16>
    %convert_element_type3A_80 = arith.truncf %get3A_21 : vector<256x512xf32> to vector<256x512xbf16>
    %dot_general3A_81 = arith.constant dense<0.000000e+00> : vector<2048x512xf32>
    %dot_general3A_82 = tpu.matmul %convert_element_type3A_79, %convert_element_type3A_80, %dot_general3A_81 {dimension_numbers = #tpu.dot_dimension_numbers<[1], [0], [0], [1], [0, 0, 1, 1], [], []>, transpose_lhs_hint = false} : vector<2048x256xbf16>, vector<256x512xbf16>, vector<2048x512xf32> -> vector<2048x512xf32>
    %add3A_83 = vector.broadcast %get3A_24 : vector<1x512xf32> to vector<2048x512xf32>
    %add3A_84 = arith.addf %dot_general3A_82, %add3A_83 : vector<2048x512xf32>
    %reduce_sum3A_85 = arith.constant dense<0.000000e+00> : vector<512xf32>
    %reduce_sum3A_86 = vector.multi_reduction <add>, %add3A_84, %reduce_sum3A_85 [0] : vector<2048x512xf32> to vector<512xf32>
    %broadcast_in_dim3A_87 = vector.shape_cast %reduce_sum3A_86 : vector<512xf32> to vector<1x512xf32>
    %div3A_88 = arith.constant 2.048000e+03 : f32
    %div3A_89 = vector.broadcast %div3A_88 : f32 to vector<1x512xf32>
    %div3A_90 = arith.divf %broadcast_in_dim3A_87, %div3A_89 : vector<1x512xf32>
    %jit3A_91 = arith.constant 0 : i32
    %reduce_sum3A_92 = arith.constant dense<0.000000e+00> : vector<512xf32>
    %reduce_sum3A_93 = vector.multi_reduction <add>, %add3A_84, %reduce_sum3A_92 [0] : vector<2048x512xf32> to vector<512xf32>
    %broadcast_in_dim3A_94 = vector.shape_cast %reduce_sum3A_93 : vector<512xf32> to vector<1x512xf32>
    %div3A_95 = arith.constant 2.048000e+03 : f32
    %div3A_96 = vector.broadcast %div3A_95 : f32 to vector<1x512xf32>
    %div3A_97 = arith.divf %broadcast_in_dim3A_94, %div3A_96 : vector<1x512xf32>
    %sub3A_98 = vector.broadcast %div3A_97 : vector<1x512xf32> to vector<2048x512xf32>
    %sub3A_99 = arith.subf %add3A_84, %sub3A_98 : vector<2048x512xf32>
    %square3A_100 = arith.mulf %sub3A_99, %sub3A_99 : vector<2048x512xf32>
    %convert_element_type3A_101 = arith.sitofp %jit3A_91 : i32 to f32
    %sub3A_102 = arith.constant 2.048000e+03 : f32
    %sub3A_103 = arith.subf %sub3A_102, %convert_element_type3A_101 : f32
    %reduce_sum3A_104 = arith.constant dense<0.000000e+00> : vector<512xf32>
    %reduce_sum3A_105 = vector.multi_reduction <add>, %square3A_100, %reduce_sum3A_104 [0] : vector<2048x512xf32> to vector<512xf32>
    %broadcast_in_dim3A_106 = vector.shape_cast %reduce_sum3A_105 : vector<512xf32> to vector<1x512xf32>
    %div3A_107 = vector.broadcast %sub3A_103 : f32 to vector<1x512xf32>
    %div3A_108 = arith.divf %broadcast_in_dim3A_106, %div3A_107 : vector<1x512xf32>
    %gt3A_109 = arith.constant 0.000000e+00 : f32
    %gt3A_110 = arith.cmpf ogt, %sub3A_103, %gt3A_109 : f32
    %jit3A_111 = arith.constant 0x7FC00000 : f32
    %broadcast_in_dim3A_112 = vector.broadcast %jit3A_111 : f32 to vector<1x512xf32>
    %select_n3A_113 = arith.select %gt3A_110, %div3A_108, %broadcast_in_dim3A_112 : vector<1x512xf32>
    %sub3A_114 = vector.broadcast %div3A_90 : vector<1x512xf32> to vector<2048x512xf32>
    %sub3A_115 = arith.subf %add3A_84, %sub3A_114 : vector<2048x512xf32>
    %add3A_116 = arith.constant 9.99999974E-6 : f32
    %add3A_117 = vector.broadcast %add3A_116 : f32 to vector<1x512xf32>
    %add3A_118 = arith.addf %select_n3A_113, %add3A_117 : vector<1x512xf32>
    %sqrt3A_119 = math.sqrt %add3A_118 : vector<1x512xf32>
    %div3A_120 = vector.broadcast %sqrt3A_119 : vector<1x512xf32> to vector<2048x512xf32>
    %div3A_121 = arith.divf %sub3A_115, %div3A_120 : vector<2048x512xf32>
    %mul3A_122 = vector.broadcast %get3A_27 : vector<1x512xf32> to vector<2048x512xf32>
    %mul3A_123 = arith.mulf %div3A_121, %mul3A_122 : vector<2048x512xf32>
    %add3A_124 = vector.broadcast %get3A_30 : vector<1x512xf32> to vector<2048x512xf32>
    %add3A_125 = arith.addf %mul3A_123, %add3A_124 : vector<2048x512xf32>
    %ge3A_126 = arith.constant 0.000000e+00 : f32
    %ge3A_127 = vector.broadcast %ge3A_126 : f32 to vector<2048x512xf32>
    %ge3A_128 = arith.cmpf oge, %add3A_125, %ge3A_127 : vector<2048x512xf32>
    %mul3A_129 = arith.constant 0.00999999977 : f32
    %mul3A_130 = vector.broadcast %mul3A_129 : f32 to vector<2048x512xf32>
    %mul3A_131 = arith.mulf %mul3A_130, %add3A_125 : vector<2048x512xf32>
    %select_n3A_132 = arith.select %ge3A_128, %add3A_125, %mul3A_131 : vector<2048x512xi1>, vector<2048x512xf32>
    %convert_element_type3A_133 = arith.truncf %select_n3A_132 : vector<2048x512xf32> to vector<2048x512xbf16>
    %convert_element_type3A_134 = arith.truncf %get3A_33 : vector<512x256xf32> to vector<512x256xbf16>
    %dot_general3A_135 = arith.constant dense<0.000000e+00> : vector<2048x256xf32>
    %dot_general3A_136 = tpu.matmul %convert_element_type3A_133, %convert_element_type3A_134, %dot_general3A_135 {dimension_numbers = #tpu.dot_dimension_numbers<[1], [0], [0], [1], [0, 0, 1, 1], [], []>, transpose_lhs_hint = false} : vector<2048x512xbf16>, vector<512x256xbf16>, vector<2048x256xf32> -> vector<2048x256xf32>
    %add3A_137 = vector.broadcast %get3A_36 : vector<1x256xf32> to vector<2048x256xf32>
    %add3A_138 = arith.addf %dot_general3A_136, %add3A_137 : vector<2048x256xf32>
    %swap3A = arith.constant 0 : index
    %swap3A_139 = arith.constant 0 : index
    %swap3A_140 = vector.load %arg23[%swap3A, %swap3A_139] : memref<2048x256xf32, #tpu.memory_space<vmem>>, vector<2048x256xf32>
    tpu.vector_store %arg23[%swap3A, %swap3A_139], %add3A_138 {strides = array<i32>} : memref<2048x256xf32, #tpu.memory_space<vmem>>, vector<2048x256xf32>,
    %get3A_141 = arith.constant 0 : index
    %get3A_142 = arith.constant 0 : index
    %get3A_143 = vector.load %arg12[%get3A_141, %get3A_142] : memref<32x256xf32, #tpu.memory_space<vmem>>, vector<32x256xf32>
    %get3A_144 = arith.constant 0 : index
    %get3A_145 = arith.constant 0 : index
    %get3A_146 = vector.load %arg13[%get3A_144, %get3A_145] : memref<1x256xf32, #tpu.memory_space<vmem>>, vector<1x256xf32>
    %get3A_147 = arith.constant 0 : index
    %get3A_148 = arith.constant 0 : index
    %get3A_149 = vector.load %arg14[%get3A_147, %get3A_148] : memref<1x256xf32, #tpu.memory_space<vmem>>, vector<1x256xf32>
    %get3A_150 = arith.constant 0 : index
    %get3A_151 = arith.constant 0 : index
    %get3A_152 = vector.load %arg15[%get3A_150, %get3A_151] : memref<1x256xf32, #tpu.memory_space<vmem>>, vector<1x256xf32>
    %get3A_153 = arith.constant 0 : index
    %get3A_154 = arith.constant 0 : index
    %get3A_155 = vector.load %arg16[%get3A_153, %get3A_154] : memref<256x512xf32, #tpu.memory_space<vmem>>, vector<256x512xf32>
    %get3A_156 = arith.constant 0 : index
    %get3A_157 = arith.constant 0 : index
    %get3A_158 = vector.load %arg17[%get3A_156, %get3A_157] : memref<1x512xf32, #tpu.memory_space<vmem>>, vector<1x512xf32>
    %get3A_159 = arith.constant 0 : index
    %get3A_160 = arith.constant 0 : index
    %get3A_161 = vector.load %arg18[%get3A_159, %get3A_160] : memref<1x512xf32, #tpu.memory_space<vmem>>, vector<1x512xf32>
    %get3A_162 = arith.constant 0 : index
    %get3A_163 = arith.constant 0 : index
    %get3A_164 = vector.load %arg19[%get3A_162, %get3A_163] : memref<1x512xf32, #tpu.memory_space<vmem>>, vector<1x512xf32>
    %get3A_165 = arith.constant 0 : index
    %get3A_166 = arith.constant 0 : index
    %get3A_167 = vector.load %arg20[%get3A_165, %get3A_166] : memref<512x256xf32, #tpu.memory_space<vmem>>, vector<512x256xf32>
    %get3A_168 = arith.constant 0 : index
    %get3A_169 = arith.constant 0 : index
    %get3A_170 = vector.load %arg21[%get3A_168, %get3A_169] : memref<1x256xf32, #tpu.memory_space<vmem>>, vector<1x256xf32>
    %convert_element_type3A_171 = arith.truncf %mul3A_6 : vector<2048x32xf32> to vector<2048x32xbf16>
    %convert_element_type3A_172 = arith.truncf %get3A_143 : vector<32x256xf32> to vector<32x256xbf16>
    %dot_general3A_173 = arith.constant dense<0.000000e+00> : vector<2048x256xf32>
    %dot_general3A_174 = tpu.matmul %convert_element_type3A_171, %convert_element_type3A_172, %dot_general3A_173 {dimension_numbers = #tpu.dot_dimension_numbers<[1], [0], [0], [1], [0, 0, 1, 1], [], []>, transpose_lhs_hint = false} : vector<2048x32xbf16>, vector<32x256xbf16>, vector<2048x256xf32> -> vector<2048x256xf32>
    %add3A_175 = vector.broadcast %get3A_146 : vector<1x256xf32> to vector<2048x256xf32>
    %add3A_176 = arith.addf %dot_general3A_174, %add3A_175 : vector<2048x256xf32>
    %reduce_sum3A_177 = arith.constant dense<0.000000e+00> : vector<256xf32>
    %reduce_sum3A_178 = vector.multi_reduction <add>, %add3A_176, %reduce_sum3A_177 [0] : vector<2048x256xf32> to vector<256xf32>
    %broadcast_in_dim3A_179 = vector.shape_cast %reduce_sum3A_178 : vector<256xf32> to vector<1x256xf32>
    %div3A_180 = arith.constant 2.048000e+03 : f32
    %div3A_181 = vector.broadcast %div3A_180 : f32 to vector<1x256xf32>
    %div3A_182 = arith.divf %broadcast_in_dim3A_179, %div3A_181 : vector<1x256xf32>
    %jit3A_183 = arith.constant 0 : i32
    %reduce_sum3A_184 = arith.constant dense<0.000000e+00> : vector<256xf32>
    %reduce_sum3A_185 = vector.multi_reduction <add>, %add3A_176, %reduce_sum3A_184 [0] : vector<2048x256xf32> to vector<256xf32>
    %broadcast_in_dim3A_186 = vector.shape_cast %reduce_sum3A_185 : vector<256xf32> to vector<1x256xf32>
    %div3A_187 = arith.constant 2.048000e+03 : f32
    %div3A_188 = vector.broadcast %div3A_187 : f32 to vector<1x256xf32>
    %div3A_189 = arith.divf %broadcast_in_dim3A_186, %div3A_188 : vector<1x256xf32>
    %sub3A_190 = vector.broadcast %div3A_189 : vector<1x256xf32> to vector<2048x256xf32>
    %sub3A_191 = arith.subf %add3A_176, %sub3A_190 : vector<2048x256xf32>
    %square3A_192 = arith.mulf %sub3A_191, %sub3A_191 : vector<2048x256xf32>
    %convert_element_type3A_193 = arith.sitofp %jit3A_183 : i32 to f32
    %sub3A_194 = arith.constant 2.048000e+03 : f32
    %sub3A_195 = arith.subf %sub3A_194, %convert_element_type3A_193 : f32
    %reduce_sum3A_196 = arith.constant dense<0.000000e+00> : vector<256xf32>
    %reduce_sum3A_197 = vector.multi_reduction <add>, %square3A_192, %reduce_sum3A_196 [0] : vector<2048x256xf32> to vector<256xf32>
    %broadcast_in_dim3A_198 = vector.shape_cast %reduce_sum3A_197 : vector<256xf32> to vector<1x256xf32>
    %div3A_199 = vector.broadcast %sub3A_195 : f32 to vector<1x256xf32>
    %div3A_200 = arith.divf %broadcast_in_dim3A_198, %div3A_199 : vector<1x256xf32>
    %gt3A_201 = arith.constant 0.000000e+00 : f32
    %gt3A_202 = arith.cmpf ogt, %sub3A_195, %gt3A_201 : f32
    %jit3A_203 = arith.constant 0x7FC00000 : f32
    %broadcast_in_dim3A_204 = vector.broadcast %jit3A_203 : f32 to vector<1x256xf32>
    %select_n3A_205 = arith.select %gt3A_202, %div3A_200, %broadcast_in_dim3A_204 : vector<1x256xf32>
    %sub3A_206 = vector.broadcast %div3A_182 : vector<1x256xf32> to vector<2048x256xf32>
    %sub3A_207 = arith.subf %add3A_176, %sub3A_206 : vector<2048x256xf32>
    %add3A_208 = arith.constant 9.99999974E-6 : f32
    %add3A_209 = vector.broadcast %add3A_208 : f32 to vector<1x256xf32>
    %add3A_210 = arith.addf %select_n3A_205, %add3A_209 : vector<1x256xf32>
    %sqrt3A_211 = math.sqrt %add3A_210 : vector<1x256xf32>
    %div3A_212 = vector.broadcast %sqrt3A_211 : vector<1x256xf32> to vector<2048x256xf32>
    %div3A_213 = arith.divf %sub3A_207, %div3A_212 : vector<2048x256xf32>
    %mul3A_214 = vector.broadcast %get3A_149 : vector<1x256xf32> to vector<2048x256xf32>
    %mul3A_215 = arith.mulf %div3A_213, %mul3A_214 : vector<2048x256xf32>
    %add3A_216 = vector.broadcast %get3A_152 : vector<1x256xf32> to vector<2048x256xf32>
    %add3A_217 = arith.addf %mul3A_215, %add3A_216 : vector<2048x256xf32>
    %ge3A_218 = arith.constant 0.000000e+00 : f32
    %ge3A_219 = vector.broadcast %ge3A_218 : f32 to vector<2048x256xf32>
    %ge3A_220 = arith.cmpf oge, %add3A_217, %ge3A_219 : vector<2048x256xf32>
    %mul3A_221 = arith.constant 0.00999999977 : f32
    %mul3A_222 = vector.broadcast %mul3A_221 : f32 to vector<2048x256xf32>
    %mul3A_223 = arith.mulf %mul3A_222, %add3A_217 : vector<2048x256xf32>
    %select_n3A_224 = arith.select %ge3A_220, %add3A_217, %mul3A_223 : vector<2048x256xi1>, vector<2048x256xf32>
    %convert_element_type3A_225 = arith.truncf %select_n3A_224 : vector<2048x256xf32> to vector<2048x256xbf16>
    %convert_element_type3A_226 = arith.truncf %get3A_155 : vector<256x512xf32> to vector<256x512xbf16>
    %dot_general3A_227 = arith.constant dense<0.000000e+00> : vector<2048x512xf32>
    %dot_general3A_228 = tpu.matmul %convert_element_type3A_225, %convert_element_type3A_226, %dot_general3A_227 {dimension_numbers = #tpu.dot_dimension_numbers<[1], [0], [0], [1], [0, 0, 1, 1], [], []>, transpose_lhs_hint = false} : vector<2048x256xbf16>, vector<256x512xbf16>, vector<2048x512xf32> -> vector<2048x512xf32>
    %add3A_229 = vector.broadcast %get3A_158 : vector<1x512xf32> to vector<2048x512xf32>
    %add3A_230 = arith.addf %dot_general3A_228, %add3A_229 : vector<2048x512xf32>
    %reduce_sum3A_231 = arith.constant dense<0.000000e+00> : vector<512xf32>
    %reduce_sum3A_232 = vector.multi_reduction <add>, %add3A_230, %reduce_sum3A_231 [0] : vector<2048x512xf32> to vector<512xf32>
    %broadcast_in_dim3A_233 = vector.shape_cast %reduce_sum3A_232 : vector<512xf32> to vector<1x512xf32>
    %div3A_234 = arith.constant 2.048000e+03 : f32
    %div3A_235 = vector.broadcast %div3A_234 : f32 to vector<1x512xf32>
    %div3A_236 = arith.divf %broadcast_in_dim3A_233, %div3A_235 : vector<1x512xf32>
    %jit3A_237 = arith.constant 0 : i32
    %reduce_sum3A_238 = arith.constant dense<0.000000e+00> : vector<512xf32>
    %reduce_sum3A_239 = vector.multi_reduction <add>, %add3A_230, %reduce_sum3A_238 [0] : vector<2048x512xf32> to vector<512xf32>
    %broadcast_in_dim3A_240 = vector.shape_cast %reduce_sum3A_239 : vector<512xf32> to vector<1x512xf32>
    %div3A_241 = arith.constant 2.048000e+03 : f32
    %div3A_242 = vector.broadcast %div3A_241 : f32 to vector<1x512xf32>
    %div3A_243 = arith.divf %broadcast_in_dim3A_240, %div3A_242 : vector<1x512xf32>
    %sub3A_244 = vector.broadcast %div3A_243 : vector<1x512xf32> to vector<2048x512xf32>
    %sub3A_245 = arith.subf %add3A_230, %sub3A_244 : vector<2048x512xf32>
    %square3A_246 = arith.mulf %sub3A_245, %sub3A_245 : vector<2048x512xf32>
    %convert_element_type3A_247 = arith.sitofp %jit3A_237 : i32 to f32
    %sub3A_248 = arith.constant 2.048000e+03 : f32
    %sub3A_249 = arith.subf %sub3A_248, %convert_element_type3A_247 : f32
    %reduce_sum3A_250 = arith.constant dense<0.000000e+00> : vector<512xf32>
    %reduce_sum3A_251 = vector.multi_reduction <add>, %square3A_246, %reduce_sum3A_250 [0] : vector<2048x512xf32> to vector<512xf32>
    %broadcast_in_dim3A_252 = vector.shape_cast %reduce_sum3A_251 : vector<512xf32> to vector<1x512xf32>
    %div3A_253 = vector.broadcast %sub3A_249 : f32 to vector<1x512xf32>
    %div3A_254 = arith.divf %broadcast_in_dim3A_252, %div3A_253 : vector<1x512xf32>
    %gt3A_255 = arith.constant 0.000000e+00 : f32
    %gt3A_256 = arith.cmpf ogt, %sub3A_249, %gt3A_255 : f32
    %jit3A_257 = arith.constant 0x7FC00000 : f32
    %broadcast_in_dim3A_258 = vector.broadcast %jit3A_257 : f32 to vector<1x512xf32>
    %select_n3A_259 = arith.select %gt3A_256, %div3A_254, %broadcast_in_dim3A_258 : vector<1x512xf32>
    %sub3A_260 = vector.broadcast %div3A_236 : vector<1x512xf32> to vector<2048x512xf32>
    %sub3A_261 = arith.subf %add3A_230, %sub3A_260 : vector<2048x512xf32>
    %add3A_262 = arith.constant 9.99999974E-6 : f32
    %add3A_263 = vector.broadcast %add3A_262 : f32 to vector<1x512xf32>
    %add3A_264 = arith.addf %select_n3A_259, %add3A_263 : vector<1x512xf32>
    %sqrt3A_265 = math.sqrt %add3A_264 : vector<1x512xf32>
    %div3A_266 = vector.broadcast %sqrt3A_265 : vector<1x512xf32> to vector<2048x512xf32>
    %div3A_267 = arith.divf %sub3A_261, %div3A_266 : vector<2048x512xf32>
    %mul3A_268 = vector.broadcast %get3A_161 : vector<1x512xf32> to vector<2048x512xf32>
    %mul3A_269 = arith.mulf %div3A_267, %mul3A_268 : vector<2048x512xf32>
    %add3A_270 = vector.broadcast %get3A_164 : vector<1x512xf32> to vector<2048x512xf32>
    %add3A_271 = arith.addf %mul3A_269, %add3A_270 : vector<2048x512xf32>
    %ge3A_272 = arith.constant 0.000000e+00 : f32
    %ge3A_273 = vector.broadcast %ge3A_272 : f32 to vector<2048x512xf32>
    %ge3A_274 = arith.cmpf oge, %add3A_271, %ge3A_273 : vector<2048x512xf32>
    %mul3A_275 = arith.constant 0.00999999977 : f32
    %mul3A_276 = vector.broadcast %mul3A_275 : f32 to vector<2048x512xf32>
    %mul3A_277 = arith.mulf %mul3A_276, %add3A_271 : vector<2048x512xf32>
    %select_n3A_278 = arith.select %ge3A_274, %add3A_271, %mul3A_277 : vector<2048x512xi1>, vector<2048x512xf32>
    %convert_element_type3A_279 = arith.truncf %select_n3A_278 : vector<2048x512xf32> to vector<2048x512xbf16>
    %convert_element_type3A_280 = arith.truncf %get3A_167 : vector<512x256xf32> to vector<512x256xbf16>
    %dot_general3A_281 = arith.constant dense<0.000000e+00> : vector<2048x256xf32>
    %dot_general3A_282 = tpu.matmul %convert_element_type3A_279, %convert_element_type3A_280, %dot_general3A_281 {dimension_numbers = #tpu.dot_dimension_numbers<[1], [0], [0], [1], [0, 0, 1, 1], [], []>, transpose_lhs_hint = false} : vector<2048x512xbf16>, vector<512x256xbf16>, vector<2048x256xf32> -> vector<2048x256xf32>
    %add3A_283 = vector.broadcast %get3A_170 : vector<1x256xf32> to vector<2048x256xf32>
    %add3A_284 = arith.addf %dot_general3A_282, %add3A_283 : vector<2048x256xf32>
    %swap3A_285 = arith.constant 0 : index
    %swap3A_286 = arith.constant 0 : index
    %swap3A_287 = vector.load %arg24[%swap3A_285, %swap3A_286] : memref<2048x256xf32, #tpu.memory_space<vmem>>, vector<2048x256xf32>
    tpu.vector_store %arg24[%swap3A_285, %swap3A_286], %add3A_284 {strides = array<i32>} : memref<2048x256xf32, #tpu.memory_space<vmem>>, vector<2048x256xf32>,
    %convert_element_type3A_288 = arith.truncf %mul3A_6 : vector<2048x32xf32> to vector<2048x32xbf16>
    %dot_general3A_289 = arith.constant dense<0.000000e+00> : vector<2048x2048xf32>
    %dot_general3A_290 = tpu.matmul %convert_element_type3A_288, %convert_element_type3A_288, %dot_general3A_289 {dimension_numbers = #tpu.dot_dimension_numbers<[1], [1], [0], [0], [0, 0, 1, 0], [], []>, transpose_lhs_hint = false} : vector<2048x32xbf16>, vector<2048x32xbf16>, vector<2048x2048xf32> -> vector<2048x2048xf32>
    %swap3A_291 = arith.constant 0 : index
    %swap3A_292 = arith.constant 0 : index
    %swap3A_293 = vector.load %arg22[%swap3A_291, %swap3A_292] : memref<2048x2048xf32, #tpu.memory_space<vmem>>, vector<2048x2048xf32>
    tpu.vector_store %arg22[%swap3A_291, %swap3A_292], %dot_general3A_290 {strides = array<i32>} : memref<2048x2048xf32, #tpu.memory_space<vmem>>, vector<2048x2048xf32>,
    return
  }
}

</mosaic_0001>

<sc_bundles>
// kernel: gather_offload_async_start.1
scs
__scs_entry_jumppad:
0x0: {  	(pc) =	sbr.rel $0x88, $3  }
0x1: {  	(tag) =	ssettag $0x0;
	lr =	simm.s32 $0x1  }
0x2: {  	[smem:$0x3F7B] =	sst lr;
	_ =	strace $0xD0000000  }
0x3: {  	_ = 	snop  }
0x4: {  	_ = 	snop  }
0x5: {  	_ = 	snop  }
0x6: {  	_ = 	snop  }
0x7: {  	_ = 	snop  }
__scs_overlays_trampoline_lowered:
0x8: {  	[smem:$0x3F8A] =	sst s0  }
0x9: {  	[smem:$0x3F8B] =	sst s1  }
0xa: {  	[smem:$0x3F8C] =	sst s2  }
0xb: {  	[smem:$0x3F8D] =	sst s3  }
0xc: {  	[smem:$0x3F8E] =	sst s4  }
0xd: {  	[smem:$0x3F8F] =	sst s5  }
0xe: {  	[smem:$0x3F90] =	sst s6  }
0xf: {  	[smem:$0x3F91] =	sst s7  }
0x10: {  	[smem:$0x3F92] =	sst s8  }
0x11: {  	[smem:$0x3F93] =	sst s9;
	s0 =	simm.s32 @!p0 $0x0  }
0x12: {  	s1 =	sld [smem:$0x3F79];
	s0 =	simm.s32 @p0 $0x1  }
0x13: {  	[smem:$0x3F94] =	sst s0;
	s0 =	simm.s32 @!p1 $0x0  }
0x14: {  	s2 =	sld [smem:$0x3F78];
	s0 =	simm.s32 @p1 $0x1  }
0x15: {  	[smem:$0x3F95] =	sst s0;
	s0 =	simm.s32 @!p2 $0x0  }
0x16: {  	s3 =	sld [smem:$0x3FDB];
	s0 =	simm.s32 @p2 $0x1  }
0x17: {  	s4 =	simm.s32 $0x1BF5;
	[smem:$0x3F97] =	sst s0  }
0x18: {  	s0 =	sld [smem:$0x3F7A];
	_ =	swait.ge [sflag:s4], $0x0  }
0x19: {  	s7 =	sld [smem:$0x3F7B]  }
0x1a: {  	s8 =	sadd.s32 $0xFFFFE003, lr  }
0x1b: {  	s9 =	sadd.s32 $0xFFFFFEF7, lr;
	s5 =	simm.s32 $0xFFFFFFFF;
	p2 =	slt.u32 s8, $0xFFFFF086  }
0x1c: {  	p1 =	slt.u32 s9, $0xF7A;
	s5 =	simm.s32 @!p2 $0x0  }
0x1d: {  	s5 =	simm.s32 @p1 $0x1;
	p0 =	seq.s32 s7, s2  }
0x1e: {  	s7 =	smul.u32 @!p0 $0xF7A, s2;
	p2 =	seq.s32 @!p0 s5, $0x0  }
0x1f: {  	s9 =	smul.u32 $0xF7A, s1;
	s8 =	simm.s32 @!p0 $0x1BF5;
	p2 =	por !p2, p0  }
0x20: {  	[sflag:s8] =	ssyncset.s32 @!p0 $0xFFFFF086;
	s6 =	sadd.s32 @!p0 s3, s7;
	s7 =	simm.s32 @!p0 $0x108  }
0x21: {  	s3 =	sadd.s32 s3, s9;
	s6 =	sadd.s32 @!p0 $0x88, s6;
	s7 =	simm.s32 @p2 $0x1082  }
0x22: {  	[simem:s7], [sflag:s8] =	dma.local @!p0 [hbm:s6], $0xF7A  }
0x23: {  	s9 =	sor.u32 $0xD0000000, s2;
	s6 =	simm.s32 $0x108;
	_ =	swait.ge @!p0 [sflag:s8], $0x0  }
0x24: {  	s3 =	sadd.s32 $0x88, s3;
	s6 =	simm.s32 @!p1 $0x1082;
	[sflag:s4] =	ssyncset.s32 $0xFFFFF086  }
0x25: {  	[simem:s6], [sflag:s4] =	dma.local [hbm:s3], $0xF7A  }
0x26: {  	[smem:$0x3F7B] =	sst s1;
	(tag) =	ssettag s2;
	_ =	strace s9  }
0x27: {  	s1 =	sld [smem:$0x3F8B]  }
0x28: {  	s2 =	sld [smem:$0x3F8C]  }
0x29: {  	s4 =	sld [smem:$0x3F8E]  }
0x2a: {  	p0 =	seq.s32 s5, $0x0;
	s5 =	sld [smem:$0x3F8F]  }
0x2b: {  	s6 =	sld [smem:$0x3F90]  }
0x2c: {  	s7 =	sld [smem:$0x3F91]  }
0x2d: {  	s3 =	simm.s32 $0x108;
	s8 =	sld [smem:$0x3F92]  }
0x2e: {  	s3 =	simm.s32 @!p0 $0x1082;
	s9 =	sld [smem:$0x3F93]  }
0x2f: {  	lr =	sadd.s32 s0, s3;
	s0 =	sld [smem:$0x3F8A]  }
0x30: {  	s3 =	sld [smem:$0x3F8D]  }
0x31: {  	[smem:$0x3F96] =	sst s10  }
0x32: {  	s10 =	sld [smem:$0x3F94];
	_ =	sdelay $0x3  }
0x33: {  	p0 =	seq.s32 s10, $0x1;
	s10 =	sld [smem:$0x3F96];
	_ =	sdelay $0x3  }
0x34: {  	[smem:$0x3F96] =	sst s10  }
0x35: {  	s10 =	sld [smem:$0x3F95];
	_ =	sdelay $0x3  }
0x36: {  	p1 =	seq.s32 s10, $0x1;
	s10 =	sld [smem:$0x3F96];
	_ =	sdelay $0x3  }
0x37: {  	[smem:$0x3F96] =	sst s10  }
0x38: {  	s10 =	sld [smem:$0x3F97]  }
0x39: {  	_ = 	snop;
	(pc) =	sbr.ind lr, $3  }
0x3a: {  	_ = 	snop  }
0x3b: {  	_ = 	snop  }
0x3c: {  	p2 =	seq.s32 s10, $0x1;
	s10 =	sld [smem:$0x3F96]  }
0x3d: {  	_ =	shalt  }
0x3e: {  	_ =	shalt  }
0x3f: {  	_ =	shalt  }
0x40: {  	_ =	shalt  }
0x41: {  	_ =	shalt  }
0x42: {  	_ =	shalt  }
0x43: {  	_ =	shalt  }
0x44: {  	_ =	shalt  }
0x45: {  	_ =	shalt  }
0x46: {  	_ =	shalt  }
0x47: {  	_ =	shalt  }
0x48: {  	_ =	shalt  }
0x49: {  	_ =	shalt  }
0x4a: {  	_ =	shalt  }
0x4b: {  	_ =	shalt  }
0x4c: {  	_ =	shalt  }
0x4d: {  	_ =	shalt  }
0x4e: {  	_ =	shalt  }
0x4f: {  	_ =	shalt  }
0x50: {  	_ =	shalt  }
0x51: {  	_ =	shalt  }
0x52: {  	_ =	shalt  }
0x53: {  	_ =	shalt  }
0x54: {  	_ =	shalt  }
0x55: {  	_ =	shalt  }
0x56: {  	_ =	shalt  }
0x57: {  	_ =	shalt  }
0x58: {  	_ =	shalt  }
0x59: {  	_ =	shalt  }
0x5a: {  	_ =	shalt  }
0x5b: {  	_ =	shalt  }
0x5c: {  	_ =	shalt  }
0x5d: {  	_ =	shalt  }
0x5e: {  	_ =	shalt  }
0x5f: {  	_ =	shalt  }
0x60: {  	_ =	shalt  }
0x61: {  	_ =	shalt  }
0x62: {  	_ =	shalt  }
0x63: {  	_ =	shalt  }
0x64: {  	_ =	shalt  }
0x65: {  	_ =	shalt  }
0x66: {  	_ =	shalt  }
0x67: {  	_ =	shalt  }
0x68: {  	_ =	shalt  }
0x69: {  	_ =	shalt  }
0x6a: {  	_ =	shalt  }
0x6b: {  	_ =	shalt  }
0x6c: {  	_ =	shalt  }
0x6d: {  	_ =	shalt  }
0x6e: {  	_ =	shalt  }
0x6f: {  	_ =	shalt  }
0x70: {  	_ =	shalt  }
0x71: {  	_ =	shalt  }
0x72: {  	_ =	shalt  }
0x73: {  	_ =	shalt  }
0x74: {  	_ =	shalt  }
0x75: {  	_ =	shalt  }
0x76: {  	_ =	shalt  }
0x77: {  	_ =	shalt  }
0x78: {  	_ =	shalt  }
0x79: {  	_ =	shalt  }
0x7a: {  	_ =	shalt  }
0x7b: {  	_ =	shalt  }
0x7c: {  	_ =	shalt  }
0x7d: {  	_ =	shalt  }
0x7e: {  	_ =	shalt  }
0x7f: {  	_ =	shalt  }
0x80: {  	_ =	shalt  }
0x81: {  	_ =	shalt  }
0x82: {  	_ =	shalt  }
0x83: {  	_ =	shalt  }
0x84: {  	_ =	shalt  }
0x85: {  	_ =	shalt  }
0x86: {  	_ =	shalt  }
0x87: {  	_ =	shalt  }
.Lfunc_end0:
.L_simem_size_0:
called_computation.1_lowered:
.L_overlay_start_0:
0x88: {  	s2 =	sld [smem:$0x3FD9]  }
0x89: {  	s3 =	sld [smem:$0x3FFE];
	_ =	sdelay $0x1  }
0x8a: {  	s1 =	srdreg.scid  }
0x8b: {  	s0 =	sand.u32 $0x1, s1  }
0x8c: {  	s14 =	sshll.u32 s0, $0xA;
	s2 =	sadd.s32 s3, s2  }
0x8d: {  	s2 =	sadd.s32 s2, s14  }
0x8e: {  	[smem:$0x3FA2] =	sst s2  }
0x8f: {  	_ = 	snop  }
0x90: {  	s2 =	sld [smem:$0x3FD0];
	_ =	sdelay $0x2  }
0x91: {  	s15 =	simm.s32 $0xB;
	s4 =	simm.s32 $0x10  }
0x92: {  	[smem:s4], [sflag:s15] =	dma.local [hbm:s2], $0x1  }
0x93: {  	_ =	swait.eq [sflag:s15], $0x1  }
0x94: {  	[sflag:s15] =	ssyncset.done $0x0  }
0x95: {  	[sflag:s15] =	ssyncadd.s32 $0xFFFFFFFF  }
0x96: {  	s2 =	sadd.s32 $0x1, s2;
	s5 =	sld [smem:$0x12]  }
0x97: {  	[smem:s4], [sflag:s15] =	dma.local [hbm:s2], $0x1  }
0x98: {  	_ =	swait.eq [sflag:s15], $0x1  }
0x99: {  	[sflag:s15] =	ssyncset.done $0x0  }
0x9a: {  	[sflag:s15] =	ssyncadd.s32 $0xFFFFFFFF  }
0x9b: {  	s16 =	sld [smem:$0x14];
	(tm) =	ssettm $0x1  }
0x9c: {  	s17 =	sld [smem:$0x3FFB];
	_ =	sdelay $0x3  }
0x9d: {  	_ =	strace s17  }
0x9e: {  	s3 =	sld [smem:$0x3FFC];
	_ =	sdelay $0x3  }
0x9f: {  	_ =	strace s3  }
0xa0: {  	s3 =	sld [smem:$0x3FFD];
	_ =	sdelay $0x3  }
0xa1: {  	_ =	strace s3  }
0xa2: {  	_ =	strace $0x8FFFFFFF  }
0xa3: {  	s18 =	sld [smem:$0x3FDB];
	_ =	sdelay $0x1  }
0xa4: {  	s19 =	simm.s32 $_scs_section_size  }
0xa5: {  	s6 =	simm.s32 $_size__tile_overlayer_lowered;
	s7 =	simm.s32 $_tile_overlayer_lowered  }
0xa6: {  	s22 =	simm.s32 $0x1BFF;
	s21 =	sshll.u32 s7, $0x1;
	s3 =	sadd.s32 s19, s18  }
0xa7: {  	s8 =	simm.s32 $0x0;
	s20 =	sshll.u32 s6, $0x1;
	s6 =	sadd.s32 s21, s3  }
0xa8: {  	[timem:s8], [sflag:s22] =	dma.local [hbm:s6], s20  }
0xa9: {  	_ =	swait.ge [sflag:s22], s20  }
0xaa: {  	s4 =	ssub.s32 $0x0, s20;
	[sflag:s22] =	ssyncset.done $0x0  }
0xab: {  	[sflag:s22] =	ssyncadd.s32 s4;
	_ =	sdelay $0x1  }
0xac: {  	s23 =	simm.s32 $0x1B8B  }
0xad: {  	_ =	swait.ge [sflag:s23], $0x1  }
0xae: {  	[sflag:s23] =	ssyncset.done $0x0  }
0xaf: {  	s25 =	simm.s32 $0x1B8E;
	s24 =	sld [smem:$0x3FFE];
	[sflag:s23] =	ssyncadd.s32 $0xFFFFFFFF  }
0xb0: {  	s26 =	simm.s32 $execute0_lowered;
	[smem:$0x3FD2] =	sst s25  }
0xb1: {  	s6 =	sshll.u32 s26, $0x1;
	_ =	strace $0x80000046;
	[dreg:$0x1] =	wrdreg $0xFFFFFFFF  }
0xb2: {  	s28 =	simm.s32 $_size_execute0_lowered;
	s3 =	sadd.s32 s3, s6;
	[dreg:$0x0] =	wrdreg $0x0  }
0xb3: {  	s6 =	sshll.u32 s28, $0x1;
	[dreg:$0x2] =	wrdreg s3  }
0xb4: {  	[dreg:$0x3] =	wrdreg s6  }
0xb5: {  	[dreg:$0x4] =	wrdreg $0xC0  }
0xb6: {  	_ =	task [dreg:s8], $0x5FFFF  }
0xb7: {  	[dreg:$0x1] =	wrdreg $0xFFFFFFFF  }
0xb8: {  	[dreg:$0x0] =	wrdreg $0x60  }
0xb9: {  	[dreg:$0x2] =	wrdreg s5  }
0xba: {  	[dreg:$0x3] =	wrdreg s16  }
0xbb: {  	[dreg:$0x4] =	wrdreg s24  }
0xbc: {  	[dreg:$0x5] =	wrdreg $0xA  }
0xbd: {  	_ =	task.clear_ibuf [dreg:s8], $0x6FFFF;
	_ =	strace $0x90000046  }
0xbe: {  	s29 =	simm.s32 $0xA;
	_ =	strace $0x80000048  }
0xbf: {  	_ =	swait.ge [sflag:s29], $0x1  }
0xc0: {  	[sflag:s29] =	ssyncadd.s32 $0xFFFFFFFF  }
0xc1: {  	_ =	strace $0x90000048  }
0xc2: {  	_ =	sfence  }
0xc3: {  	s30 =	sld [smem:$0x0];
	_ =	sdelay $0x2  }
0xc4: {  	s31 =	sshll.u32 s1, $0xD;
	s1 =	sshrl.u32 s1, $0x2  }
0xc5: {  	s3 =	sand.u32 $0x4000, s31;
	s1 =	sadd.s32 s1, s30  }
0xc6: {  	s0 =	sor.u32 s3, s0;
	s1 =	sshll.u32 s1, $0x11  }
0xc7: {  	s0 =	sor.u32 s1, s0  }
0xc8: {  	s0 =	sadd.s32 $0x8F2B, s0  }
0xc9: {  	[sflag:s0] =	ssyncadd.remote.s32 $0x1  }
0xca: {  	_ =	sfence.sel $0xFFFF  }
0xcb: {  	[dreg:$0x0] =	wrdreg $0xFFFFFFFF;
	(pc) =	sbr.abs _section_cstart, $3  }
0xcc: {  	[dreg:$0x1] =	wrdreg $0xFFFFFFFF  }
0xcd: {  	_ =	task.clear_ibuf [dreg:s8], $0x2FFFF;
	_ =	strace $0x9FFFFFFF  }
0xce: {  	(tm) =	ssettm $0x7FFFFFFF  }
0xcf: {  	_ =	shalt  }
tec
execute0_lowered:
.L_overlay_start_1:
0x0: {  	(tag) =	ssettag $0x1  }
0x1: {  	s2 =	rddreg [dreg:$0x0]  }
0x2: {  	s3 =	rddreg [dreg:$0x1]  }
0x3: {  	s7 =	rddreg [dreg:$0x2]  }
0x4: {  	s0 =	rddreg [dreg:$0x3];
	s1 =	srdreg.scid;
	_ =	strace $0x80000047  }
0x5: {  	s4 =	simm.s32 $0x1;
	s9 =	simm.s32 $0x3;
	s5 =	sshll.u32 s1, $0x4  }
.Ltmp0:
0x6: {  	s1 =	stileid.u32;
	s5 =	sand.u32 $0x10, s5;
	(pc) =	sbr.rel .LBB2_1-.Ltmp0, $4  }
0x7: {  	s12 =	simm.s32 $0x0;
	s10 =	simm.s32 $0x0;
	s6 =	sor.u32 s1, s5  }
0x8: {  	[sflag:s4] =	ssyncpa.u1 $0x0;
	s5 =	simm.s32 $0x2;
	s6 =	sshll.u32 s6, $0x6  }
0x9: {  	s7 =	sadd.s32 $0x43400, s7;
	[sflag:s5] =	ssyncpa.u1 $0x0;
	s8 =	sadd.s32 $0x40, s6  }
0xa: {  	vm0 =	vmmov $0xff;
	vm1 =	vcmask $0x3F20;
	[sflag:s9] =	ssyncpa.u1 $0x0;
	s9 =	simm.s32 $0x40;
	s11 =	smov.u32 s6  }
.LBB2_10:
0xb: {  	[hbm:s16] =	stream.linear.scatter [tilespmem:s13], [sflag:$0x3], $0x800, $0x38;
	[tilespmem:$0x8080] =	vst v63  }
.LBB2_11:
0xc: {  	p0 =	seq.s32 s10, $0x2  }
.Ltmp1:
0xd: {  	_ = 	snop;
	(pc) =	sbr.rel @p0 .LBB2_13-.Ltmp1, $1  }
0xe: {  	_ =	sdelay $0x3  }
.LBB2_12:
0xf: {  	s12 =	sadd.s32 $0x40, s11  }
0x10: {  	s13 =	smov.u32 s6;
	p0 =	slt.s32 s12, s8  }
0x11: {  	s13 =	smov.u32 @p0 s12  }
0x12: {  	s10 =	sadd.s32 $0x1, s10;
	s12 =	smov.u32 s11;
	s11 =	smov.u32 s13  }
.LBB2_1:
0x13: {  	p0 =	sne.s32 s10, $0x0  }
.Ltmp2:
0x14: {  	_ = 	snop;
	(pc) =	sbr.rel @!p0 .LBB2_2-.Ltmp2, $1  }
0x15: {  	_ =	sdelay $0x3  }
0x16: {  	s13 =	sand.u32 $0x1, s10  }
0x17: {  	p0 =	seq.s32 s13, $0x0  }
.Ltmp3:
0x18: {  	_ = 	snop;
	(pc) =	sbr.rel @p0 .LBB2_11-.Ltmp3, $1  }
0x19: {  	_ =	sdelay $0x3  }
0x1a: {  	_ =	swait.ge [sflag:s5], $0x40  }
0x1b: {  	[sflag:s5] =	ssyncset.done $0x0  }
0x1c: {  	s13 =	simm.s32 $0x0;
	[sflag:s5] =	ssyncadd.s32 $0xFFFFFFC0  }
.LBB2_5:
0x1d: {  	s14 =	sshll.u32 s13, $0x4  }
0x1e: {  	s14 =	sand.u32 $0x3FFFFFF0, s14  }
0x1f: {  	v0 =	vld.msk [tilespmem:s14+$0x40 ss:$0x1], $0xffff;
	_ =	sdelay $0x4  }
0x20: {  	vm2 =	vgt.s32 v0, $0x0  }
0x21: {  	v0 =	vnsel vm2, $0x0, v0  }
0x22: {  	v0 =	vmin.u32 v0, $0x7FF  }
0x23: {  	s31 =	sshll.u32 s13, $0xC;
	v1 =	vshll.u32 v0, $0x5;
	v0 =	vshll.u32 v0, $0x4  }
0x24: {  	s14 =	sand.u32 $0x3FFFF000, s31;
	v1 =	vand.u32 $0xFF00, v1;
	v0 =	vand.u32 $0x70, v0  }
0x25: {  	p0 =	por $0x1, $0x1;
	s15 =	simm.s32 $0x0;
	s14 =	sadd.s32 $0x4080, s14;
	v0 =	vor.u32 v0, v1  }
.LBB2_6:
0x26: {  	_ =	sdelay $0x1  }
0x27: {  	s15 =	sshra.s32 s15, $0x2;
	p1 =	por p0, p0  }
.Ltmp4:
0x28: {  	s15 =	sadd.s32 s15, s14;
	(pc) =	sbr.rel @p1 .LBB2_6-.Ltmp4, $4  }
0x29: {  	[tilespmem:s15], [sflag:$0x1] =	stream.indirect_vreg.gather [hbm:s2], $0x80, v0, vm0, $0x38;
	[tilespmem:$0x8080] =	vst v63  }
0x2a: {  	s15 =	sadd.s32 $0x800, s15  }
0x2b: {  	[tilespmem:s15], [sflag:$0x1] =	stream.indirect_vreg.gather [hbm:s2], $0x80, v0, vm1, $0x38;
	[tilespmem:$0x8080] =	vst v63  }
0x2c: {  	p0 =	por $0x0, $0x0;
	v0 =	vadd.s32 $0x80, v0;
	s15 =	simm.s32 $0x1000  }
0x2d: {  	s13 =	sadd.s32 $0x1, s13  }
0x2e: {  	p0 =	sne.s32 s13, $0x4  }
.Ltmp5:
0x2f: {  	_ = 	snop;
	(pc) =	sbr.rel @p0 .LBB2_5-.Ltmp5, $1  }
0x30: {  	_ =	sdelay $0x3  }
0x31: {  	s13 =	sshll.u32 s12, $0x5  }
0x32: {  	_ =	swait.ge [sflag:s4], $0x4000;
	s31 =	sshll.u32 s12, $0x4;
	s13 =	sand.u32 $0xFFFFFF00, s13  }
0x33: {  	s14 =	simm.s32 $0x100;
	s12 =	sand.u32 $0x70, s31;
	s13 =	sadd.s32 s13, s7  }
0x34: {  	s15 =	simm.s32 $0x4880;
	[sflag:s4] =	ssyncset.done $0x0;
	s12 =	sadd.s32 s12, s13  }
0x35: {  	[sflag:s4] =	ssyncadd.s32 $0xFFFFC000;
	s13 =	simm.s32 $0x4080;
	s16 =	sadd.s32 $0x0, s12  }
.LBB2_9:
0x36: {  	[hbm:s16] =	stream.linear.scatter [tilespmem:s13], [sflag:$0x3], $0x800, $0x38;
	[tilespmem:$0x8080] =	vst v63  }
0x37: {  	s16 =	smov.u32 s14;
	s13 =	smov.u32 s15;
	p0 =	sne.s32 s14, $0x700  }
.Ltmp6:
0x38: {  	s14 =	sadd.s32 $0x100, s14;
	(pc) =	sbr.rel @p0 .LBB2_9-.Ltmp6, $2  }
0x39: {  	_ =	sdelay $0x2  }
0x3a: {  	s15 =	sadd.s32 $0x800, s15;
	s16 =	sadd.s32 s16, s12  }
.Ltmp7:
0x3b: {  	_ = 	snop;
	(pc) =	sbr.rel .LBB2_10-.Ltmp7, $1  }
0x3c: {  	_ =	sdelay $0x3  }
.LBB2_2:
.Ltmp8:
0x3d: {  	(pc) =	sbr.rel .LBB2_12-.Ltmp8, $4  }
0x3e: {  	_ = 	snop  }
0x3f: {  	s12 =	sshrl.u32 s11, $0x3  }
0x40: {  	s13 =	sand.u32 $0x7, s11;
	s12 =	sadd.s32 s3, s12  }
0x41: {  	[tilespmem:s9], [sflag:$0x2] =	stream.linear.gather [hbm4b:s12+s13], $0x40, $0x38;
	[tilespmem:$0x8080] =	vst v63  }
.LBB2_13:
0x42: {  	s2 =	simm.s32 $0x3  }
0x43: {  	_ =	swait.ge [sflag:s2], $0x4000  }
0x44: {  	[sflag:s2] =	ssyncset.done $0x0  }
0x45: {  	[sflag:s2] =	ssyncadd.s32 $0xFFFFC000  }
0x46: {  	_ =	sfence.sel $0x180000  }
0x47: {  	s3 =	simm.s32 $0x2;
	[bflag:$0x0] =	sbarrier.arrive $0xFFFF  }
0x48: {  	[sflag:s3] =	ssyncpa.u1 $0x1  }
0x49: {  	s31 =	simm.s32 $0x1;
	[sflag:s2] =	ssyncpa.u1 $0x1  }
0x4a: {  	[sflag:s31] =	ssyncpa.u1 $0x1  }
0x4b: {  	p0 =	sne.s32 s1, $0x0;
	_ =	strace $0x90000047  }
0x4c: {  	s0 =	sadd.s32 @!p0 $0x100000, s0;
	[bflag:$0x2] =	sbarrier.arrive $0xFFFF  }
0x4d: {  	[sflag:s0] =	ssyncadd.tile.s32 @!p0 $0x1;
	_ =	shalt  }
.Lfunc_end2:
_tile_overlayer_lowered:
.L_overlay_start_2:
0x4e: {  	(tag) =	ssettag $0x2  }
0x4f: {  	s0 =	rddreg [dreg:$0x0];
	s2 =	stileid.u32  }
0x50: {  	s1 =	rddreg [dreg:$0x1];
	p0 =	sne.s32 s2, $0x0  }
0x51: {  	s3 =	rddreg [dreg:$0x2];
	[bflag:$0x3] =	sbarrier.arrive $0xFFFF;
	s2 =	simm.s32 @!p0 $0x1C01  }
0x52: {  	[timem:s3], [sflag:s2] =	dma.local @!p0 [hbm:s0], s1  }
0x53: {  	s0 =	simm.s32 @!p0 $0x1  }
0x54: {  	_ =	swait.ge @!p0 [sflag:s0], s1  }
0x55: {  	s1 =	ssub.s32 @!p0 $0x0, s1;
	[sflag:s0] =	ssyncset.done @!p0 $0x0  }
0x56: {  	[sflag:s0] =	ssyncadd.s32 @!p0 s1  }
0x57: {  	[bflag:$0x3] =	sbarrier.arrive $0xFFFF  }
0x58: {  	_ =	shalt  }

// kernel: gather_offload_async_start
scs
__scs_entry_jumppad:
0x0: {  	(pc) =	sbr.rel $0x88, $3  }
0x1: {  	(tag) =	ssettag $0x0;
	lr =	simm.s32 $0x1  }
0x2: {  	[smem:$0x3F7B] =	sst lr;
	_ =	strace $0xD0000000  }
0x3: {  	_ = 	snop  }
0x4: {  	_ = 	snop  }
0x5: {  	_ = 	snop  }
0x6: {  	_ = 	snop  }
0x7: {  	_ = 	snop  }
__scs_overlays_trampoline_lowered:
0x8: {  	[smem:$0x3F8A] =	sst s0  }
0x9: {  	[smem:$0x3F8B] =	sst s1  }
0xa: {  	[smem:$0x3F8C] =	sst s2  }
0xb: {  	[smem:$0x3F8D] =	sst s3  }
0xc: {  	[smem:$0x3F8E] =	sst s4  }
0xd: {  	[smem:$0x3F8F] =	sst s5  }
0xe: {  	[smem:$0x3F90] =	sst s6  }
0xf: {  	[smem:$0x3F91] =	sst s7  }
0x10: {  	[smem:$0x3F92] =	sst s8  }
0x11: {  	[smem:$0x3F93] =	sst s9;
	s0 =	simm.s32 @!p0 $0x0  }
0x12: {  	s1 =	sld [smem:$0x3F79];
	s0 =	simm.s32 @p0 $0x1  }
0x13: {  	[smem:$0x3F94] =	sst s0;
	s0 =	simm.s32 @!p1 $0x0  }
0x14: {  	s2 =	sld [smem:$0x3F78];
	s0 =	simm.s32 @p1 $0x1  }
0x15: {  	[smem:$0x3F95] =	sst s0;
	s0 =	simm.s32 @!p2 $0x0  }
0x16: {  	s3 =	sld [smem:$0x3FDB];
	s0 =	simm.s32 @p2 $0x1  }
0x17: {  	s4 =	simm.s32 $0x1BF5;
	[smem:$0x3F97] =	sst s0  }
0x18: {  	s0 =	sld [smem:$0x3F7A];
	_ =	swait.ge [sflag:s4], $0x0  }
0x19: {  	s7 =	sld [smem:$0x3F7B]  }
0x1a: {  	s8 =	sadd.s32 $0xFFFFE003, lr  }
0x1b: {  	s9 =	sadd.s32 $0xFFFFFEF7, lr;
	s5 =	simm.s32 $0xFFFFFFFF;
	p2 =	slt.u32 s8, $0xFFFFF086  }
0x1c: {  	p1 =	slt.u32 s9, $0xF7A;
	s5 =	simm.s32 @!p2 $0x0  }
0x1d: {  	s5 =	simm.s32 @p1 $0x1;
	p0 =	seq.s32 s7, s2  }
0x1e: {  	s7 =	smul.u32 @!p0 $0xF7A, s2;
	p2 =	seq.s32 @!p0 s5, $0x0  }
0x1f: {  	s9 =	smul.u32 $0xF7A, s1;
	s8 =	simm.s32 @!p0 $0x1BF5;
	p2 =	por !p2, p0  }
0x20: {  	[sflag:s8] =	ssyncset.s32 @!p0 $0xFFFFF086;
	s6 =	sadd.s32 @!p0 s3, s7;
	s7 =	simm.s32 @!p0 $0x108  }
0x21: {  	s3 =	sadd.s32 s3, s9;
	s6 =	sadd.s32 @!p0 $0x88, s6;
	s7 =	simm.s32 @p2 $0x1082  }
0x22: {  	[simem:s7], [sflag:s8] =	dma.local @!p0 [hbm:s6], $0xF7A  }
0x23: {  	s9 =	sor.u32 $0xD0000000, s2;
	s6 =	simm.s32 $0x108;
	_ =	swait.ge @!p0 [sflag:s8], $0x0  }
0x24: {  	s3 =	sadd.s32 $0x88, s3;
	s6 =	simm.s32 @!p1 $0x1082;
	[sflag:s4] =	ssyncset.s32 $0xFFFFF086  }
0x25: {  	[simem:s6], [sflag:s4] =	dma.local [hbm:s3], $0xF7A  }
0x26: {  	[smem:$0x3F7B] =	sst s1;
	(tag) =	ssettag s2;
	_ =	strace s9  }
0x27: {  	s1 =	sld [smem:$0x3F8B]  }
0x28: {  	s2 =	sld [smem:$0x3F8C]  }
0x29: {  	s4 =	sld [smem:$0x3F8E]  }
0x2a: {  	p0 =	seq.s32 s5, $0x0;
	s5 =	sld [smem:$0x3F8F]  }
0x2b: {  	s6 =	sld [smem:$0x3F90]  }
0x2c: {  	s7 =	sld [smem:$0x3F91]  }
0x2d: {  	s3 =	simm.s32 $0x108;
	s8 =	sld [smem:$0x3F92]  }
0x2e: {  	s3 =	simm.s32 @!p0 $0x1082;
	s9 =	sld [smem:$0x3F93]  }
0x2f: {  	lr =	sadd.s32 s0, s3;
	s0 =	sld [smem:$0x3F8A]  }
0x30: {  	s3 =	sld [smem:$0x3F8D]  }
0x31: {  	[smem:$0x3F96] =	sst s10  }
0x32: {  	s10 =	sld [smem:$0x3F94];
	_ =	sdelay $0x3  }
0x33: {  	p0 =	seq.s32 s10, $0x1;
	s10 =	sld [smem:$0x3F96];
	_ =	sdelay $0x3  }
0x34: {  	[smem:$0x3F96] =	sst s10  }
0x35: {  	s10 =	sld [smem:$0x3F95];
	_ =	sdelay $0x3  }
0x36: {  	p1 =	seq.s32 s10, $0x1;
	s10 =	sld [smem:$0x3F96];
	_ =	sdelay $0x3  }
0x37: {  	[smem:$0x3F96] =	sst s10  }
0x38: {  	s10 =	sld [smem:$0x3F97]  }
0x39: {  	_ = 	snop;
	(pc) =	sbr.ind lr, $3  }
0x3a: {  	_ = 	snop  }
0x3b: {  	_ = 	snop  }
0x3c: {  	p2 =	seq.s32 s10, $0x1;
	s10 =	sld [smem:$0x3F96]  }
0x3d: {  	_ =	shalt  }
0x3e: {  	_ =	shalt  }
0x3f: {  	_ =	shalt  }
0x40: {  	_ =	shalt  }
0x41: {  	_ =	shalt  }
0x42: {  	_ =	shalt  }
0x43: {  	_ =	shalt  }
0x44: {  	_ =	shalt  }
0x45: {  	_ =	shalt  }
0x46: {  	_ =	shalt  }
0x47: {  	_ =	shalt  }
0x48: {  	_ =	shalt  }
0x49: {  	_ =	shalt  }
0x4a: {  	_ =	shalt  }
0x4b: {  	_ =	shalt  }
0x4c: {  	_ =	shalt  }
0x4d: {  	_ =	shalt  }
0x4e: {  	_ =	shalt  }
0x4f: {  	_ =	shalt  }
0x50: {  	_ =	shalt  }
0x51: {  	_ =	shalt  }
0x52: {  	_ =	shalt  }
0x53: {  	_ =	shalt  }
0x54: {  	_ =	shalt  }
0x55: {  	_ =	shalt  }
0x56: {  	_ =	shalt  }
0x57: {  	_ =	shalt  }
0x58: {  	_ =	shalt  }
0x59: {  	_ =	shalt  }
0x5a: {  	_ =	shalt  }
0x5b: {  	_ =	shalt  }
0x5c: {  	_ =	shalt  }
0x5d: {  	_ =	shalt  }
0x5e: {  	_ =	shalt  }
0x5f: {  	_ =	shalt  }
0x60: {  	_ =	shalt  }
0x61: {  	_ =	shalt  }
0x62: {  	_ =	shalt  }
0x63: {  	_ =	shalt  }
0x64: {  	_ =	shalt  }
0x65: {  	_ =	shalt  }
0x66: {  	_ =	shalt  }
0x67: {  	_ =	shalt  }
0x68: {  	_ =	shalt  }
0x69: {  	_ =	shalt  }
0x6a: {  	_ =	shalt  }
0x6b: {  	_ =	shalt  }
0x6c: {  	_ =	shalt  }
0x6d: {  	_ =	shalt  }
0x6e: {  	_ =	shalt  }
0x6f: {  	_ =	shalt  }
0x70: {  	_ =	shalt  }
0x71: {  	_ =	shalt  }
0x72: {  	_ =	shalt  }
0x73: {  	_ =	shalt  }
0x74: {  	_ =	shalt  }
0x75: {  	_ =	shalt  }
0x76: {  	_ =	shalt  }
0x77: {  	_ =	shalt  }
0x78: {  	_ =	shalt  }
0x79: {  	_ =	shalt  }
0x7a: {  	_ =	shalt  }
0x7b: {  	_ =	shalt  }
0x7c: {  	_ =	shalt  }
0x7d: {  	_ =	shalt  }
0x7e: {  	_ =	shalt  }
0x7f: {  	_ =	shalt  }
0x80: {  	_ =	shalt  }
0x81: {  	_ =	shalt  }
0x82: {  	_ =	shalt  }
0x83: {  	_ =	shalt  }
0x84: {  	_ =	shalt  }
0x85: {  	_ =	shalt  }
0x86: {  	_ =	shalt  }
0x87: {  	_ =	shalt  }
.Lfunc_end0:
.L_simem_size_0:
called_computation_lowered:
.L_overlay_start_0:
0x88: {  	s2 =	sld [smem:$0x3FD9]  }
0x89: {  	s3 =	sld [smem:$0x3FFE];
	_ =	sdelay $0x1  }
0x8a: {  	s1 =	srdreg.scid  }
0x8b: {  	s0 =	sand.u32 $0x1, s1  }
0x8c: {  	s15 =	sshll.u32 s0, $0xA;
	s2 =	sadd.s32 s3, s2  }
0x8d: {  	s2 =	sadd.s32 s2, s15  }
0x8e: {  	[smem:$0x3FA2] =	sst s2  }
0x8f: {  	_ = 	snop  }
0x90: {  	s2 =	sld [smem:$0x3FD0];
	_ =	sdelay $0x2  }
0x91: {  	s4 =	simm.s32 $0xB;
	s5 =	simm.s32 $0x10  }
0x92: {  	[smem:s5], [sflag:s4] =	dma.local [hbm:s2], $0x1  }
0x93: {  	_ =	swait.eq [sflag:s4], $0x1  }
0x94: {  	[sflag:s4] =	ssyncset.done $0x0  }
0x95: {  	[sflag:s4] =	ssyncadd.s32 $0xFFFFFFFF  }
0x96: {  	s2 =	sadd.s32 $0x1, s2;
	s16 =	sld [smem:$0x11]  }
0x97: {  	[smem:s5], [sflag:s4] =	dma.local [hbm:s2], $0x1  }
0x98: {  	_ =	swait.eq [sflag:s4], $0x1  }
0x99: {  	[sflag:s4] =	ssyncset.done $0x0  }
0x9a: {  	[sflag:s4] =	ssyncadd.s32 $0xFFFFFFFF  }
0x9b: {  	s17 =	sld [smem:$0x16];
	(tm) =	ssettm $0x1  }
0x9c: {  	s18 =	sld [smem:$0x3FFB];
	_ =	sdelay $0x3  }
0x9d: {  	_ =	strace s18  }
0x9e: {  	s2 =	sld [smem:$0x3FFC];
	_ =	sdelay $0x3  }
0x9f: {  	_ =	strace s2  }
0xa0: {  	s2 =	sld [smem:$0x3FFD];
	_ =	sdelay $0x3  }
0xa1: {  	_ =	strace s2  }
0xa2: {  	_ =	strace $0x8FFFFFFF  }
0xa3: {  	s19 =	sld [smem:$0x3FDB];
	_ =	sdelay $0x1  }
0xa4: {  	s20 =	simm.s32 $_scs_section_size  }
0xa5: {  	s6 =	simm.s32 $_size__tile_overlayer_lowered;
	s7 =	simm.s32 $_tile_overlayer_lowered  }
0xa6: {  	s8 =	simm.s32 $0x1BFF;
	s21 =	sshll.u32 s7, $0x1;
	s5 =	sadd.s32 s20, s19  }
0xa7: {  	s22 =	simm.s32 $0x0;
	s6 =	sshll.u32 s6, $0x1;
	s7 =	sadd.s32 s21, s5  }
0xa8: {  	[timem:s22], [sflag:s8] =	dma.local [hbm:s7], s6  }
0xa9: {  	_ =	swait.ge [sflag:s8], s6  }
0xaa: {  	s6 =	ssub.s32 $0x0, s6;
	[sflag:s8] =	ssyncset.done $0x0  }
0xab: {  	[sflag:s8] =	ssyncadd.s32 s6;
	_ =	sdelay $0x1  }
0xac: {  	s23 =	simm.s32 $0x1B8B  }
0xad: {  	_ =	swait.ge [sflag:s23], $0x1  }
0xae: {  	[sflag:s23] =	ssyncset.done $0x0  }
0xaf: {  	[sflag:s23] =	ssyncadd.s32 $0xFFFFFFFF  }
0xb0: {  	s6 =	sld [smem:$0x0]  }
0xb1: {  	s7 =	sand.u32 $0xFFFFFFFE, s1  }
0xb2: {  	p0 =	sne.s32 s1, s7  }
0xb3: {  	s7 =	sshll.u32 @p0 s7, $0xE  }
0xb4: {  	s7 =	sadd.s32 @p0 $0x11B8D, s7;
	s8 =	sshll.u32 @p0 s6, $0x11  }
0xb5: {  	s7 =	sor.u32 @p0 s8, s7  }
0xb6: {  	[sflag:s7] =	ssyncadd.remote.s32 @p0 $0x1;
	_ =	sdelay $0x1  }
0xb7: {  	s7 =	simm.s32 @p0 $0x1B8D  }
0xb8: {  	_ =	swait.eq @p0 [sflag:s7], $0x1  }
0xb9: {  	[sflag:s7] =	ssyncadd.s32 @p0 $0xFFFFFFFF  }
0xba: {  	s8 =	sshll.u32 @!p0 s1, $0xE  }
0xbb: {  	s8 =	sor.u32 @!p0 $0x4000, s8;
	s7 =	simm.s32 @!p0 $0x1B8D  }
0xbc: {  	s6 =	sshll.u32 @!p0 s6, $0x11;
	s8 =	sadd.s32 @!p0 $0x11B8D, s8;
	_ =	swait.eq @!p0 [sflag:s7], $0x1  }
0xbd: {  	s6 =	sor.u32 @!p0 s6, s8;
	[sflag:s7] =	ssyncadd.s32 @!p0 $0xFFFFFFFF  }
0xbe: {  	s25 =	simm.s32 $0x1B8E;
	s24 =	sld [smem:$0x3FFE];
	[sflag:s6] =	ssyncadd.remote.s32 @!p0 $0x1  }
0xbf: {  	s26 =	simm.s32 $execute0_lowered;
	[smem:$0x3FD2] =	sst s25  }
0xc0: {  	s7 =	sshll.u32 s26, $0x1;
	_ =	strace $0x80000049;
	[dreg:$0x1] =	wrdreg $0xFFFFFFFF  }
0xc1: {  	s28 =	simm.s32 $_size_execute0_lowered;
	s5 =	sadd.s32 s5, s7;
	[dreg:$0x0] =	wrdreg $0x0  }
0xc2: {  	s7 =	sshll.u32 s28, $0x1;
	[dreg:$0x2] =	wrdreg s5  }
0xc3: {  	[dreg:$0x3] =	wrdreg s7  }
0xc4: {  	[dreg:$0x4] =	wrdreg $0xC0  }
0xc5: {  	_ =	task [dreg:s22], $0x5FFFF  }
0xc6: {  	[dreg:$0x1] =	wrdreg $0xFFFFFFFF  }
0xc7: {  	[dreg:$0x0] =	wrdreg $0x60  }
0xc8: {  	[dreg:$0x2] =	wrdreg s16  }
0xc9: {  	[dreg:$0x3] =	wrdreg s17  }
0xca: {  	[dreg:$0x4] =	wrdreg s24  }
0xcb: {  	[dreg:$0x5] =	wrdreg $0x9  }
0xcc: {  	_ =	task.clear_ibuf [dreg:s22], $0x6FFFF;
	_ =	strace $0x90000049  }
0xcd: {  	s29 =	simm.s32 $0x9;
	_ =	strace $0x8000004B  }
0xce: {  	_ =	swait.ge [sflag:s29], $0x1  }
0xcf: {  	[sflag:s29] =	ssyncadd.s32 $0xFFFFFFFF  }
0xd0: {  	_ =	strace $0x9000004B  }
0xd1: {  	_ =	sfence  }
0xd2: {  	s30 =	sld [smem:$0x0];
	_ =	sdelay $0x2  }
0xd3: {  	s31 =	sshll.u32 s1, $0xD;
	s1 =	sshrl.u32 s1, $0x2  }
0xd4: {  	s4 =	sand.u32 $0x4000, s31;
	s1 =	sadd.s32 s1, s30  }
0xd5: {  	s0 =	sor.u32 s4, s0;
	s1 =	sshll.u32 s1, $0x11  }
0xd6: {  	s0 =	sor.u32 s1, s0  }
0xd7: {  	s0 =	sadd.s32 $0x8F2B, s0  }
0xd8: {  	[sflag:s0] =	ssyncadd.remote.s32 $0x1  }
0xd9: {  	_ =	sfence.sel $0xFFFF  }
0xda: {  	[dreg:$0x0] =	wrdreg $0xFFFFFFFF;
	(pc) =	sbr.abs _section_cstart, $3  }
0xdb: {  	[dreg:$0x1] =	wrdreg $0xFFFFFFFF  }
0xdc: {  	_ =	task.clear_ibuf [dreg:s22], $0x2FFFF;
	_ =	strace $0x9FFFFFFF  }
0xdd: {  	(tm) =	ssettm $0x7FFFFFFF  }
tec
execute0_lowered:
.L_overlay_start_1:
0x0: {  	(tag) =	ssettag $0x1  }
0x1: {  	s2 =	rddreg [dreg:$0x0]  }
0x2: {  	s3 =	rddreg [dreg:$0x1]  }
0x3: {  	s7 =	rddreg [dreg:$0x2]  }
0x4: {  	s0 =	rddreg [dreg:$0x3];
	s1 =	srdreg.scid;
	_ =	strace $0x8000004A  }
0x5: {  	s4 =	simm.s32 $0x1;
	s9 =	simm.s32 $0x3;
	s5 =	sshll.u32 s1, $0x4  }
.Ltmp0:
0x6: {  	s1 =	stileid.u32;
	s5 =	sand.u32 $0x10, s5;
	(pc) =	sbr.rel .LBB2_1-.Ltmp0, $4  }
0x7: {  	s12 =	simm.s32 $0x0;
	s10 =	simm.s32 $0x0;
	s6 =	sor.u32 s1, s5  }
0x8: {  	[sflag:s4] =	ssyncpa.u1 $0x0;
	s5 =	simm.s32 $0x2;
	s6 =	sshll.u32 s6, $0x6  }
0x9: {  	s7 =	sadd.s32 $0x53400, s7;
	[sflag:s5] =	ssyncpa.u1 $0x0;
	s8 =	sadd.s32 $0x40, s6  }
0xa: {  	vm0 =	vmmov $0xff;
	vm1 =	vcmask $0x3F20;
	[sflag:s9] =	ssyncpa.u1 $0x0;
	s9 =	simm.s32 $0x40;
	s11 =	smov.u32 s6  }
.LBB2_10:
0xb: {  	[hbm:s16] =	stream.linear.scatter [tilespmem:s13], [sflag:$0x3], $0x800, $0x38;
	[tilespmem:$0x8080] =	vst v63  }
.LBB2_11:
0xc: {  	p0 =	seq.s32 s10, $0x2  }
.Ltmp1:
0xd: {  	_ = 	snop;
	(pc) =	sbr.rel @p0 .LBB2_13-.Ltmp1, $1  }
0xe: {  	_ =	sdelay $0x3  }
.LBB2_12:
0xf: {  	s12 =	sadd.s32 $0x40, s11  }
0x10: {  	s13 =	smov.u32 s6;
	p0 =	slt.s32 s12, s8  }
0x11: {  	s13 =	smov.u32 @p0 s12  }
0x12: {  	s10 =	sadd.s32 $0x1, s10;
	s12 =	smov.u32 s11;
	s11 =	smov.u32 s13  }
.LBB2_1:
0x13: {  	p0 =	sne.s32 s10, $0x0  }
.Ltmp2:
0x14: {  	_ = 	snop;
	(pc) =	sbr.rel @!p0 .LBB2_2-.Ltmp2, $1  }
0x15: {  	_ =	sdelay $0x3  }
0x16: {  	s13 =	sand.u32 $0x1, s10  }
0x17: {  	p0 =	seq.s32 s13, $0x0  }
.Ltmp3:
0x18: {  	_ = 	snop;
	(pc) =	sbr.rel @p0 .LBB2_11-.Ltmp3, $1  }
0x19: {  	_ =	sdelay $0x3  }
0x1a: {  	_ =	swait.ge [sflag:s5], $0x40  }
0x1b: {  	[sflag:s5] =	ssyncset.done $0x0  }
0x1c: {  	s13 =	simm.s32 $0x0;
	[sflag:s5] =	ssyncadd.s32 $0xFFFFFFC0  }
.LBB2_5:
0x1d: {  	s14 =	sshll.u32 s13, $0x4  }
0x1e: {  	s14 =	sand.u32 $0x3FFFFFF0, s14  }
0x1f: {  	v0 =	vld.msk [tilespmem:s14+$0x40 ss:$0x1], $0xffff;
	_ =	sdelay $0x4  }
0x20: {  	vm2 =	vgt.s32 v0, $0x0  }
0x21: {  	v0 =	vnsel vm2, $0x0, v0  }
0x22: {  	v0 =	vmin.u32 v0, $0x7FF  }
0x23: {  	s31 =	sshll.u32 s13, $0xC;
	v1 =	vshll.u32 v0, $0x5;
	v0 =	vshll.u32 v0, $0x4  }
0x24: {  	s14 =	sand.u32 $0x3FFFF000, s31;
	v1 =	vand.u32 $0xFF00, v1;
	v0 =	vand.u32 $0x70, v0  }
0x25: {  	p0 =	por $0x1, $0x1;
	s15 =	simm.s32 $0x0;
	s14 =	sadd.s32 $0x4080, s14;
	v0 =	vor.u32 v0, v1  }
.LBB2_6:
0x26: {  	_ =	sdelay $0x1  }
0x27: {  	s15 =	sshra.s32 s15, $0x2;
	p1 =	por p0, p0  }
.Ltmp4:
0x28: {  	s15 =	sadd.s32 s15, s14;
	(pc) =	sbr.rel @p1 .LBB2_6-.Ltmp4, $4  }
0x29: {  	[tilespmem:s15], [sflag:$0x1] =	stream.indirect_vreg.gather [hbm:s2], $0x80, v0, vm0, $0x38;
	[tilespmem:$0x8080] =	vst v63  }
0x2a: {  	s15 =	sadd.s32 $0x800, s15  }
0x2b: {  	[tilespmem:s15], [sflag:$0x1] =	stream.indirect_vreg.gather [hbm:s2], $0x80, v0, vm1, $0x38;
	[tilespmem:$0x8080] =	vst v63  }
0x2c: {  	p0 =	por $0x0, $0x0;
	v0 =	vadd.s32 $0x80, v0;
	s15 =	simm.s32 $0x1000  }
0x2d: {  	s13 =	sadd.s32 $0x1, s13  }
0x2e: {  	p0 =	sne.s32 s13, $0x4  }
.Ltmp5:
0x2f: {  	_ = 	snop;
	(pc) =	sbr.rel @p0 .LBB2_5-.Ltmp5, $1  }
0x30: {  	_ =	sdelay $0x3  }
0x31: {  	s13 =	sshll.u32 s12, $0x5  }
0x32: {  	_ =	swait.ge [sflag:s4], $0x4000;
	s31 =	sshll.u32 s12, $0x4;
	s13 =	sand.u32 $0xFFFFFF00, s13  }
0x33: {  	s14 =	simm.s32 $0x100;
	s12 =	sand.u32 $0x70, s31;
	s13 =	sadd.s32 s13, s7  }
0x34: {  	s15 =	simm.s32 $0x4880;
	[sflag:s4] =	ssyncset.done $0x0;
	s12 =	sadd.s32 s12, s13  }
0x35: {  	[sflag:s4] =	ssyncadd.s32 $0xFFFFC000;
	s13 =	simm.s32 $0x4080;
	s16 =	sadd.s32 $0x0, s12  }
.LBB2_9:
0x36: {  	[hbm:s16] =	stream.linear.scatter [tilespmem:s13], [sflag:$0x3], $0x800, $0x38;
	[tilespmem:$0x8080] =	vst v63  }
0x37: {  	s16 =	smov.u32 s14;
	s13 =	smov.u32 s15;
	p0 =	sne.s32 s14, $0x700  }
.Ltmp6:
0x38: {  	s14 =	sadd.s32 $0x100, s14;
	(pc) =	sbr.rel @p0 .LBB2_9-.Ltmp6, $2  }
0x39: {  	_ =	sdelay $0x2  }
0x3a: {  	s15 =	sadd.s32 $0x800, s15;
	s16 =	sadd.s32 s16, s12  }
.Ltmp7:
0x3b: {  	_ = 	snop;
	(pc) =	sbr.rel .LBB2_10-.Ltmp7, $1  }
0x3c: {  	_ =	sdelay $0x3  }
.LBB2_2:
.Ltmp8:
0x3d: {  	(pc) =	sbr.rel .LBB2_12-.Ltmp8, $4  }
0x3e: {  	_ = 	snop  }
0x3f: {  	s12 =	sshrl.u32 s11, $0x3  }
0x40: {  	s13 =	sand.u32 $0x7, s11;
	s12 =	sadd.s32 s3, s12  }
0x41: {  	[tilespmem:s9], [sflag:$0x2] =	stream.linear.gather [hbm4b:s12+s13], $0x40, $0x38;
	[tilespmem:$0x8080] =	vst v63  }
.LBB2_13:
0x42: {  	s2 =	simm.s32 $0x3  }
0x43: {  	_ =	swait.ge [sflag:s2], $0x4000  }
0x44: {  	[sflag:s2] =	ssyncset.done $0x0  }
0x45: {  	[sflag:s2] =	ssyncadd.s32 $0xFFFFC000  }
0x46: {  	_ =	sfence.sel $0x180000  }
0x47: {  	s3 =	simm.s32 $0x2;
	[bflag:$0x0] =	sbarrier.arrive $0xFFFF  }
0x48: {  	[sflag:s3] =	ssyncpa.u1 $0x1  }
0x49: {  	s31 =	simm.s32 $0x1;
	[sflag:s2] =	ssyncpa.u1 $0x1  }
0x4a: {  	[sflag:s31] =	ssyncpa.u1 $0x1  }
0x4b: {  	p0 =	sne.s32 s1, $0x0;
	_ =	strace $0x9000004A  }
0x4c: {  	s0 =	sadd.s32 @!p0 $0x100000, s0;
	[bflag:$0x2] =	sbarrier.arrive $0xFFFF  }
0x4d: {  	[sflag:s0] =	ssyncadd.tile.s32 @!p0 $0x1;
	_ =	shalt  }
.Lfunc_end2:
_tile_overlayer_lowered:
.L_overlay_start_2:
0x4e: {  	(tag) =	ssettag $0x2  }
0x4f: {  	s0 =	rddreg [dreg:$0x0];
	s2 =	stileid.u32  }
0x50: {  	s1 =	rddreg [dreg:$0x1];
	p0 =	sne.s32 s2, $0x0  }
0x51: {  	s3 =	rddreg [dreg:$0x2];
	[bflag:$0x3] =	sbarrier.arrive $0xFFFF;
	s2 =	simm.s32 @!p0 $0x1C01  }
0x52: {  	[timem:s3], [sflag:s2] =	dma.local @!p0 [hbm:s0], s1  }
0x53: {  	s0 =	simm.s32 @!p0 $0x1  }
0x54: {  	_ =	swait.ge @!p0 [sflag:s0], s1  }
0x55: {  	s1 =	ssub.s32 @!p0 $0x0, s1;
	[sflag:s0] =	ssyncset.done @!p0 $0x0  }
0x56: {  	[sflag:s0] =	ssyncadd.s32 @!p0 s1  }
0x57: {  	[bflag:$0x3] =	sbarrier.arrive $0xFFFF  }
0x58: {  	_ =	shalt  }

</sc_bundles>
